<compile_context>
chip_gen: v7x
topology: tpu7x:2x2x1
jax: 0.10.2.dev20260603
libtpu: 0.0.44.dev20260713+nightly
codegen_flags: <defaults>
</compile_context>

<pallas_src>
import functools

import jax
import jax.numpy as jnp
from jax import lax
from jax.experimental import pallas as pl
from jax.experimental.pallas import tpu as pltpu
from jax.experimental.pallas import tpu_sc as plsc

B, S, H = 2, 2048, 2048
E, TOP_K, R = 8, 2, 64
R2 = TOP_K * R

S_TILE = 512


def _expert_body(idx_ref, gate_ref, x_ref, wd0_ref, wd1_ref, wu0_ref, wu1_ref,
                 out_ref, wdc, wuc):
    b = pl.program_id(0)
    s = pl.program_id(1)

    @pl.when(s == 0)
    def _():
        wdc[:R, :] = wd0_ref[0].astype(jnp.bfloat16)
        wdc[R:, :] = wd1_ref[0].astype(jnp.bfloat16)
        wuc[:, :R] = wu0_ref[0].astype(jnp.bfloat16)
        wuc[:, R:] = wu1_ref[0].astype(jnp.bfloat16)

    g0 = gate_ref[b, 0]
    g1 = gate_ref[b, 1]
    col = lax.broadcasted_iota(jnp.int32, (1, R2), 1)
    gv = jnp.where(col < R, g0, g1)

    nt = (((1,), (1,)), ((), ()))
    xb = x_ref[0]
    h = lax.dot_general(xb.astype(jnp.bfloat16), wdc[...], nt,
                        preferred_element_type=jnp.float32)
    hg = (h * gv).astype(jnp.bfloat16)
    eo = lax.dot_general(hg, wuc[...], nt,
                         preferred_element_type=jnp.float32)
    out_ref[0] = xb + eo


@jax.jit
def _expert_call(x, wd_t, wu_t, idx_flat, gate_flat):
    grid = (B, S // S_TILE)
    spec = pltpu.PrefetchScalarGridSpec(
        num_scalar_prefetch=2,
        grid=grid,
        in_specs=[
            pl.BlockSpec((1, S_TILE, H), lambda b, s, idx, gate: (b, s, 0)),
            pl.BlockSpec((1, R, H), lambda b, s, idx, gate: (idx[b, 0], 0, 0)),
            pl.BlockSpec((1, R, H), lambda b, s, idx, gate: (idx[b, 1], 0, 0)),
            pl.BlockSpec((1, H, R), lambda b, s, idx, gate: (idx[b, 0], 0, 0)),
            pl.BlockSpec((1, H, R), lambda b, s, idx, gate: (idx[b, 1], 0, 0)),
        ],
        out_specs=pl.BlockSpec((1, S_TILE, H), lambda b, s, idx, gate: (b, s, 0)),
        scratch_shapes=[
            pltpu.VMEM((R2, H), jnp.bfloat16),
            pltpu.VMEM((H, R2), jnp.bfloat16),
        ],
    )
    return pl.pallas_call(
        _expert_body,
        grid_spec=spec,
        out_shape=jax.ShapeDtypeStruct((B, S, H), jnp.float32),
        compiler_params=pltpu.CompilerParams(
            dimension_semantics=("arbitrary", "arbitrary"),
        ),
    )(idx_flat, gate_flat, x, wd_t, wd_t, wu_t, wu_t)


def _route_jnp(x, router_w):
    cls = x[:, 0, :]
    logits = cls @ router_w.T
    topv, topi = lax.top_k(logits, TOP_K)
    gate = jax.nn.softmax(topv, axis=-1)
    return topi.reshape(-1).astype(jnp.int32), gate.reshape(-1)


def _lane_rotate(v, lane, sh):
    perm = lax.rem(lane + sh, 16)
    dnums = lax.GatherDimensionNumbers(
        offset_dims=(), collapsed_slice_dims=(0,), start_index_map=(0,))
    return lax.gather(v, perm[:, None], dnums, slice_sizes=(1,),
                      mode=lax.GatherScatterMode.PROMISE_IN_BOUNDS)


def _allreduce16(v, lane, op):
    for sh in (8, 4, 2, 1):
        v = op(v, _lane_rotate(v, lane, sh))
    return v


_UNROLL = 8


def _round_bf16(v):
    u = plsc.bitcast(v, jnp.int32)
    lsb = jnp.bitwise_and(lax.shift_right_logical(u, 16), 1)
    r = jnp.bitwise_and(u + 0x7FFF + lsb, jnp.int32(-65536))
    return plsc.bitcast(r, jnp.float32)


def _route_sc_body(x_hbm, rw_hbm, idx_out, gate_out,
                   cls_v, rw_row_v, logit_v, gath_v, idx_v, gate_v, shared):
    b = lax.axis_index("c")
    e = lax.axis_index("s")
    lane = lax.iota(jnp.int32, 16)

    @pl.when(e < E)
    def _():
        pltpu.sync_copy(x_hbm.at[b, 0], cls_v)
        pltpu.sync_copy(rw_hbm.at[e], rw_row_v)

        def body(j, accs):
            base = j * (16 * _UNROLL)
            accs = list(accs)
            for q in range(_UNROLL):
                off = base + q * 16
                accs[q % 4] = accs[q % 4] + (_round_bf16(cls_v[pl.ds(off, 16)]) *
                                             _round_bf16(rw_row_v[pl.ds(off, 16)]))
            return tuple(accs)

        z = jnp.zeros((16,), jnp.float32)
        a0, a1, a2, a3 = lax.fori_loop(0, H // (16 * _UNROLL), body,
                                       (z, z, z, z))
        logit_v[...] = _allreduce16((a0 + a1) + (a2 + a3), lane, jnp.add)
        pltpu.sync_copy(logit_v, shared.at[b, e])

    plsc.subcore_barrier()

    @pl.when(e == 0)
    def _():
        pltpu.sync_copy(shared.at[b], gath_v)
        logits = jnp.full((16,), -jnp.inf, dtype=jnp.float32)
        for e2 in range(E):
            logits = jnp.where(lane == e2, gath_v[e2], logits)
        m1 = _allreduce16(logits, lane, jnp.maximum)
        i1 = _allreduce16(jnp.where(logits == m1, lane, 16), lane, jnp.minimum)
        masked = jnp.where(lane == i1, -jnp.inf, logits)
        m2 = _allreduce16(masked, lane, jnp.maximum)
        i2 = _allreduce16(jnp.where(masked == m2, lane, 16), lane, jnp.minimum)
        e2v = jnp.exp(m2 - m1)
        denom = 1.0 + e2v
        zero_i = jnp.zeros((16,), jnp.int32)
        zero_f = jnp.zeros((16,), jnp.float32)
        idx_v[...] = jnp.where(lane == 0, i1, jnp.where(lane == 1, i2, zero_i))
        gate_v[...] = jnp.where(lane == 0, 1.0 / denom,
                                jnp.where(lane == 1, e2v / denom, zero_f))
        pltpu.sync_copy(idx_v, idx_out.at[b])
        pltpu.sync_copy(gate_v, gate_out.at[b])


@jax.jit
def _route_sc(x, router_w):
    return pl.kernel(
        _route_sc_body,
        out_type=(jax.ShapeDtypeStruct((B, 16), jnp.int32),
                  jax.ShapeDtypeStruct((B, 16), jnp.float32)),
        mesh=plsc.VectorSubcoreMesh(core_axis_name="c", subcore_axis_name="s"),
        compiler_params=pltpu.CompilerParams(needs_layout_passes=False),
        scratch_types=[
            pltpu.VMEM((H,), jnp.float32),
            pltpu.VMEM((H,), jnp.float32),
            pltpu.VMEM((16,), jnp.float32),
            pltpu.VMEM((E, 16), jnp.float32),
            pltpu.VMEM((16,), jnp.int32),
            pltpu.VMEM((16,), jnp.float32),
            pltpu.VMEM_SHARED((B, E, 16), jnp.float32),
        ],
    )(x, router_w)


def kernel(x, router_w, Wd, Wu):
    idx_rows, gate_rows = _route_sc(x, router_w)
    return _expert_call(x, Wd, Wu, idx_rows, gate_rows)

# --- scband reference (transcript-rebuilt; emitter-appended) ---
"""Pipeline reference for scband-mo-eadapter-layer-27539330302423 (READ-ONLY COPY).

The authoritative reference and input builder live on the scoring server;
editing this copy changes nothing except your own understanding.
"""

import jax, jax.numpy as jnp
import numpy as np

B, S, H = 2, 2048, 2048
E, TOP_K, R = 8, 2, 64

def setup_inputs(seed: int = 0) -> dict:
    key = jax.random.key(seed)
    k1, k2, k3, k4 = jax.random.split(key, 4)
    x = jax.random.normal(k1, (B, S, H), dtype=jnp.float32)
    # LoRA experts: down [E, R, H], up [E, H, R] (nn.Linear weight layout [out, in])
    Wd = jax.random.normal(k2, (E, R, H), dtype=jnp.float32) * (1.0 / np.sqrt(H))
    Wu = jax.random.normal(k3, (E, H, R), dtype=jnp.float32) * (1.0 / np.sqrt(R))
    router_w = jax.random.normal(k4, (E, H), dtype=jnp.float32) * (1.0 / np.sqrt(H))
    return {"x": x, "router_w": router_w, "Wd": Wd, "Wu": Wu}

def reference(x, router_w, Wd, Wu):
    b = x.shape[0]
    cls = x[:, 0, :]                                   # [B, H]
    gate_logits = cls @ router_w.T                     # [B, E]
    if TOP_K < gate_logits.shape[1]:
        topk_val, topk_idx = jax.lax.top_k(gate_logits, TOP_K)
        mask = jnp.full_like(gate_logits, -jnp.inf)
        rows = jnp.arange(b)[:, None]
        mask = mask.at[rows, topk_idx].set(topk_val)
        gate = jax.nn.softmax(mask, axis=-1)           # [B, E]
    else:
        gate = jax.nn.softmax(gate_logits, axis=-1)
    # dense expert compute: LoRA down then up for every expert
    h = jnp.einsum('bsh,erh->besr', x, Wd)             # [B, E, S, R]
    experts_out = jnp.einsum('besr,ehr->besh', h, Wu)  # [B, E, S, H]
    gate4 = gate.reshape(b, -1, 1, 1)                  # [B, E, 1, 1]
    weighted = (gate4 * experts_out).sum(axis=1)       # [B, S, H]
    return x + weighted

if __name__ == "__main__":
    import jax
    _d = setup_inputs()
    print(jax.jit(kernel)(*tuple(_d.values())))

</pallas_src>

<mosaic_0001>
#map = affine_map<(d0, d1) -> (0, 0, 0)>
#map1 = affine_map<(d0, d1) -> (0, 0)>
module attributes {stable_mosaic.version = 14 : i64} {
  func.func @_route_sc_body(%arg0: i32, %arg1: i32, %arg2: memref<2x2048x2048xf32, #tpu.memory_space<hbm>>, %arg3: memref<8x2048xf32, #tpu.memory_space<hbm>>, %arg4: memref<2x16xi32, #tpu.memory_space<hbm>>, %arg5: memref<2x16xf32, #tpu.memory_space<hbm>>, %arg6: memref<2048xf32, #tpu.memory_space<vmem>>, %arg7: memref<2048xf32, #tpu.memory_space<vmem>>, %arg8: memref<16xf32, #tpu.memory_space<vmem>>, %arg9: memref<8x16xf32, #tpu.memory_space<vmem>>, %arg10: memref<16xi32, #tpu.memory_space<vmem>>, %arg11: memref<16xf32, #tpu.memory_space<vmem>>, %arg12: memref<2x8x16xf32, #tpu.memory_space<vmem_shared>>) attributes {dimension_semantics = [#tpu.dimension_semantics<core_parallel>, #tpu.dimension_semantics<subcore_parallel>], iteration_bounds = array<i64: 2, 16>, scalar_prefetch = 0 : i64, scratch_operands = 7 : i64, tpu.core_type = #tpu.core_type<sc_vector_subcore>, window_params = [{transform_indices = #map}, {transform_indices = #map1}, {transform_indices = #map1}, {transform_indices = #map1}]} {
    %iota3A = tpu.iota {dimensions = array<i32: 0>} : vector<16xi32>
    %lt3A = arith.constant 8 : i32
    %lt3A_0 = arith.cmpi slt, %arg1, %lt3A : i32
    %convert_element_type3A = arith.extui %lt3A_0 : i1 to i32
    %cond3A = arith.constant 0 : i32
    %cond3A_1 = arith.cmpi ne, %convert_element_type3A, %cond3A : i32
    scf.if %cond3A_1 {
      %run_scoped3A = arith.constant 0 : i32
      "tpu.region"() ({
        %run_scoped3A_53 = tpu.sem_alloc : memref<!tpu.dma_semaphore, #tpu.memory_space<semaphore_mem>>
        %dma_start3A = arith.constant 0 : i32
        %dma_start3A_54 = tpu.memref_slice %arg2[%arg0, %run_scoped3A, %dma_start3A] : memref<2x2048x2048xf32, #tpu.memory_space<hbm>> -> memref<1x1x2048xf32, #tpu.memory_space<hbm>>
        %dma_start3A_55 = tpu.memref_squeeze %dma_start3A_54 : memref<1x1x2048xf32, #tpu.memory_space<hbm>> -> memref<2048xf32, #tpu.memory_space<hbm>>
        %dma_start3A_56 = arith.constant 0 : i32
        %dma_start3A_57 = tpu.memref_slice %arg2[%arg0, %run_scoped3A, %dma_start3A_56] : memref<2x2048x2048xf32, #tpu.memory_space<hbm>> -> memref<1x1x2048xf32, #tpu.memory_space<hbm>>
        %dma_start3A_58 = tpu.memref_squeeze %dma_start3A_57 : memref<1x1x2048xf32, #tpu.memory_space<hbm>> -> memref<2048xf32, #tpu.memory_space<hbm>>
        tpu.enqueue_dma source(%dma_start3A_58 : memref<2048xf32, #tpu.memory_space<hbm>>) target(%arg6 : memref<2048xf32, #tpu.memory_space<vmem>>) target_semaphore(%run_scoped3A_53 : memref<!tpu.dma_semaphore, #tpu.memory_space<semaphore_mem>>)
        %dma_wait3A = arith.constant 0 : i32
        %dma_wait3A_59 = tpu.memref_slice %arg2[%arg0, %run_scoped3A, %dma_wait3A] : memref<2x2048x2048xf32, #tpu.memory_space<hbm>> -> memref<1x1x2048xf32, #tpu.memory_space<hbm>>
        %dma_wait3A_60 = tpu.memref_squeeze %dma_wait3A_59 : memref<1x1x2048xf32, #tpu.memory_space<hbm>> -> memref<2048xf32, #tpu.memory_space<hbm>>
        %dma_wait3A_61 = arith.constant 0 : i32
        %dma_wait3A_62 = tpu.memref_slice %arg2[%arg0, %run_scoped3A, %dma_wait3A_61] : memref<2x2048x2048xf32, #tpu.memory_space<hbm>> -> memref<1x1x2048xf32, #tpu.memory_space<hbm>>
        %dma_wait3A_63 = tpu.memref_squeeze %dma_wait3A_62 : memref<1x1x2048xf32, #tpu.memory_space<hbm>> -> memref<2048xf32, #tpu.memory_space<hbm>>
        tpu.wait_dma2 semaphore(%run_scoped3A_53 : memref<!tpu.dma_semaphore, #tpu.memory_space<semaphore_mem>>) src(%dma_wait3A_63 : memref<2048xf32, #tpu.memory_space<hbm>>) dst(%arg6 : memref<2048xf32, #tpu.memory_space<vmem>>)
        tpu.yield
      }) : () -> ()
      "tpu.region"() ({
        %run_scoped3A_53 = tpu.sem_alloc : memref<!tpu.dma_semaphore, #tpu.memory_space<semaphore_mem>>
        %dma_start3A = arith.constant 0 : i32
        %dma_start3A_54 = tpu.memref_slice %arg3[%arg1, %dma_start3A] : memref<8x2048xf32, #tpu.memory_space<hbm>> -> memref<1x2048xf32, #tpu.memory_space<hbm>>
        %dma_start3A_55 = tpu.memref_squeeze %dma_start3A_54 : memref<1x2048xf32, #tpu.memory_space<hbm>> -> memref<2048xf32, #tpu.memory_space<hbm>>
        %dma_start3A_56 = arith.constant 0 : i32
        %dma_start3A_57 = tpu.memref_slice %arg3[%arg1, %dma_start3A_56] : memref<8x2048xf32, #tpu.memory_space<hbm>> -> memref<1x2048xf32, #tpu.memory_space<hbm>>
        %dma_start3A_58 = tpu.memref_squeeze %dma_start3A_57 : memref<1x2048xf32, #tpu.memory_space<hbm>> -> memref<2048xf32, #tpu.memory_space<hbm>>
        tpu.enqueue_dma source(%dma_start3A_58 : memref<2048xf32, #tpu.memory_space<hbm>>) target(%arg7 : memref<2048xf32, #tpu.memory_space<vmem>>) target_semaphore(%run_scoped3A_53 : memref<!tpu.dma_semaphore, #tpu.memory_space<semaphore_mem>>)
        %dma_wait3A = arith.constant 0 : i32
        %dma_wait3A_59 = tpu.memref_slice %arg3[%arg1, %dma_wait3A] : memref<8x2048xf32, #tpu.memory_space<hbm>> -> memref<1x2048xf32, #tpu.memory_space<hbm>>
        %dma_wait3A_60 = tpu.memref_squeeze %dma_wait3A_59 : memref<1x2048xf32, #tpu.memory_space<hbm>> -> memref<2048xf32, #tpu.memory_space<hbm>>
        %dma_wait3A_61 = arith.constant 0 : i32
        %dma_wait3A_62 = tpu.memref_slice %arg3[%arg1, %dma_wait3A_61] : memref<8x2048xf32, #tpu.memory_space<hbm>> -> memref<1x2048xf32, #tpu.memory_space<hbm>>
        %dma_wait3A_63 = tpu.memref_squeeze %dma_wait3A_62 : memref<1x2048xf32, #tpu.memory_space<hbm>> -> memref<2048xf32, #tpu.memory_space<hbm>>
        tpu.wait_dma2 semaphore(%run_scoped3A_53 : memref<!tpu.dma_semaphore, #tpu.memory_space<semaphore_mem>>) src(%dma_wait3A_63 : memref<2048xf32, #tpu.memory_space<hbm>>) dst(%arg7 : memref<2048xf32, #tpu.memory_space<vmem>>)
        tpu.yield
      }) : () -> ()
      %broadcast_in_dim3A = arith.constant 0.000000e+00 : f32
      %broadcast_in_dim3A_6 = vector.broadcast %broadcast_in_dim3A : f32 to vector<16xf32>
      %scan3A = arith.constant 0 : i32
      %scan3A_7 = arith.constant 16 : i32
      %scan3A_8 = arith.addi %scan3A, %scan3A_7 : i32
      %scan3A_9 = arith.constant 1 : i32
      %scan3A_10:4 = scf.for %scan3A_53 = %scan3A to %scan3A_8 step %scan3A_9 iter_args(%scan3A_54 = %broadcast_in_dim3A_6, %scan3A_55 = %broadcast_in_dim3A_6, %scan3A_56 = %broadcast_in_dim3A_6, %scan3A_57 = %broadcast_in_dim3A_6) -> (vector<16xf32>, vector<16xf32>, vector<16xf32>, vector<16xf32>)  : i32 {
        %mul3A = arith.constant 128 : i32
        %mul3A_58 = arith.muli %scan3A_53, %mul3A : i32
        %add3A_59 = arith.constant 0 : i32
        %add3A_60 = arith.addi %mul3A_58, %add3A_59 : i32
        %get3A = arith.index_cast %add3A_60 : i32 to index
        %get3A_61 = tpu.vector_load %arg6[%get3A] {strides = array<i32>} : memref<2048xf32, #tpu.memory_space<vmem>>, vector<16xf32>,
        %bitcast3A = vector.bitcast %get3A_61 : vector<16xf32> to vector<16xi32>
        %shift_right_logical3A = arith.constant 16 : i32
        %shift_right_logical3A_62 = vector.broadcast %shift_right_logical3A : i32 to vector<16xi32>
        %shift_right_logical3A_63 = arith.shrui %bitcast3A, %shift_right_logical3A_62 : vector<16xi32>
        %and3A = arith.constant 1 : i32
        %and3A_64 = vector.broadcast %and3A : i32 to vector<16xi32>
        %and3A_65 = arith.andi %shift_right_logical3A_63, %and3A_64 : vector<16xi32>
        %add3A_66 = arith.constant 32767 : i32
        %add3A_67 = vector.broadcast %add3A_66 : i32 to vector<16xi32>
        %add3A_68 = arith.addi %bitcast3A, %add3A_67 : vector<16xi32>
        %add3A_69 = arith.addi %add3A_68, %and3A_65 : vector<16xi32>
        %and3A_70 = arith.constant -65536 : i32
        %and3A_71 = vector.broadcast %and3A_70 : i32 to vector<16xi32>
        %and3A_72 = arith.andi %add3A_69, %and3A_71 : vector<16xi32>
        %bitcast3A_73 = vector.bitcast %and3A_72 : vector<16xi32> to vector<16xf32>
        %get3A_74 = arith.index_cast %add3A_60 : i32 to index
        %get3A_75 = tpu.vector_load %arg7[%get3A_74] {strides = array<i32>} : memref<2048xf32, #tpu.memory_space<vmem>>, vector<16xf32>,
        %bitcast3A_76 = vector.bitcast %get3A_75 : vector<16xf32> to vector<16xi32>
        %shift_right_logical3A_77 = arith.constant 16 : i32
        %shift_right_logical3A_78 = vector.broadcast %shift_right_logical3A_77 : i32 to vector<16xi32>
        %shift_right_logical3A_79 = arith.shrui %bitcast3A_76, %shift_right_logical3A_78 : vector<16xi32>
        %and3A_80 = arith.constant 1 : i32
        %and3A_81 = vector.broadcast %and3A_80 : i32 to vector<16xi32>
        %and3A_82 = arith.andi %shift_right_logical3A_79, %and3A_81 : vector<16xi32>
        %add3A_83 = arith.constant 32767 : i32
        %add3A_84 = vector.broadcast %add3A_83 : i32 to vector<16xi32>
        %add3A_85 = arith.addi %bitcast3A_76, %add3A_84 : vector<16xi32>
        %add3A_86 = arith.addi %add3A_85, %and3A_82 : vector<16xi32>
        %and3A_87 = arith.constant -65536 : i32
        %and3A_88 = vector.broadcast %and3A_87 : i32 to vector<16xi32>
        %and3A_89 = arith.andi %add3A_86, %and3A_88 : vector<16xi32>
        %bitcast3A_90 = vector.bitcast %and3A_89 : vector<16xi32> to vector<16xf32>
        %mul3A_91 = arith.mulf %bitcast3A_73, %bitcast3A_90 : vector<16xf32>
        %add3A_92 = arith.addf %scan3A_54, %mul3A_91 : vector<16xf32>
        %add3A_93 = arith.constant 16 : i32
        %add3A_94 = arith.addi %mul3A_58, %add3A_93 : i32
        %get3A_95 = arith.index_cast %add3A_94 : i32 to index
        %get3A_96 = tpu.vector_load %arg6[%get3A_95] {strides = array<i32>} : memref<2048xf32, #tpu.memory_space<vmem>>, vector<16xf32>,
        %bitcast3A_97 = vector.bitcast %get3A_96 : vector<16xf32> to vector<16xi32>
        %shift_right_logical3A_98 = arith.constant 16 : i32
        %shift_right_logical3A_99 = vector.broadcast %shift_right_logical3A_98 : i32 to vector<16xi32>
        %shift_right_logical3A_100 = arith.shrui %bitcast3A_97, %shift_right_logical3A_99 : vector<16xi32>
        %and3A_101 = arith.constant 1 : i32
        %and3A_102 = vector.broadcast %and3A_101 : i32 to vector<16xi32>
        %and3A_103 = arith.andi %shift_right_logical3A_100, %and3A_102 : vector<16xi32>
        %add3A_104 = arith.constant 32767 : i32
        %add3A_105 = vector.broadcast %add3A_104 : i32 to vector<16xi32>
        %add3A_106 = arith.addi %bitcast3A_97, %add3A_105 : vector<16xi32>
        %add3A_107 = arith.addi %add3A_106, %and3A_103 : vector<16xi32>
        %and3A_108 = arith.constant -65536 : i32
        %and3A_109 = vector.broadcast %and3A_108 : i32 to vector<16xi32>
        %and3A_110 = arith.andi %add3A_107, %and3A_109 : vector<16xi32>
        %bitcast3A_111 = vector.bitcast %and3A_110 : vector<16xi32> to vector<16xf32>
        %get3A_112 = arith.index_cast %add3A_94 : i32 to index
        %get3A_113 = tpu.vector_load %arg7[%get3A_112] {strides = array<i32>} : memref<2048xf32, #tpu.memory_space<vmem>>, vector<16xf32>,
        %bitcast3A_114 = vector.bitcast %get3A_113 : vector<16xf32> to vector<16xi32>
        %shift_right_logical3A_115 = arith.constant 16 : i32
        %shift_right_logical3A_116 = vector.broadcast %shift_right_logical3A_115 : i32 to vector<16xi32>
        %shift_right_logical3A_117 = arith.shrui %bitcast3A_114, %shift_right_logical3A_116 : vector<16xi32>
        %and3A_118 = arith.constant 1 : i32
        %and3A_119 = vector.broadcast %and3A_118 : i32 to vector<16xi32>
        %and3A_120 = arith.andi %shift_right_logical3A_117, %and3A_119 : vector<16xi32>
        %add3A_121 = arith.constant 32767 : i32
        %add3A_122 = vector.broadcast %add3A_121 : i32 to vector<16xi32>
        %add3A_123 = arith.addi %bitcast3A_114, %add3A_122 : vector<16xi32>
        %add3A_124 = arith.addi %add3A_123, %and3A_120 : vector<16xi32>
        %and3A_125 = arith.constant -65536 : i32
        %and3A_126 = vector.broadcast %and3A_125 : i32 to vector<16xi32>
        %and3A_127 = arith.andi %add3A_124, %and3A_126 : vector<16xi32>
        %bitcast3A_128 = vector.bitcast %and3A_127 : vector<16xi32> to vector<16xf32>
        %mul3A_129 = arith.mulf %bitcast3A_111, %bitcast3A_128 : vector<16xf32>
        %add3A_130 = arith.addf %scan3A_55, %mul3A_129 : vector<16xf32>
        %add3A_131 = arith.constant 32 : i32
        %add3A_132 = arith.addi %mul3A_58, %add3A_131 : i32
        %get3A_133 = arith.index_cast %add3A_132 : i32 to index
        %get3A_134 = tpu.vector_load %arg6[%get3A_133] {strides = array<i32>} : memref<2048xf32, #tpu.memory_space<vmem>>, vector<16xf32>,
        %bitcast3A_135 = vector.bitcast %get3A_134 : vector<16xf32> to vector<16xi32>
        %shift_right_logical3A_136 = arith.constant 16 : i32
        %shift_right_logical3A_137 = vector.broadcast %shift_right_logical3A_136 : i32 to vector<16xi32>
        %shift_right_logical3A_138 = arith.shrui %bitcast3A_135, %shift_right_logical3A_137 : vector<16xi32>
        %and3A_139 = arith.constant 1 : i32
        %and3A_140 = vector.broadcast %and3A_139 : i32 to vector<16xi32>
        %and3A_141 = arith.andi %shift_right_logical3A_138, %and3A_140 : vector<16xi32>
        %add3A_142 = arith.constant 32767 : i32
        %add3A_143 = vector.broadcast %add3A_142 : i32 to vector<16xi32>
        %add3A_144 = arith.addi %bitcast3A_135, %add3A_143 : vector<16xi32>
        %add3A_145 = arith.addi %add3A_144, %and3A_141 : vector<16xi32>
        %and3A_146 = arith.constant -65536 : i32
        %and3A_147 = vector.broadcast %and3A_146 : i32 to vector<16xi32>
        %and3A_148 = arith.andi %add3A_145, %and3A_147 : vector<16xi32>
        %bitcast3A_149 = vector.bitcast %and3A_148 : vector<16xi32> to vector<16xf32>
        %get3A_150 = arith.index_cast %add3A_132 : i32 to index
        %get3A_151 = tpu.vector_load %arg7[%get3A_150] {strides = array<i32>} : memref<2048xf32, #tpu.memory_space<vmem>>, vector<16xf32>,
        %bitcast3A_152 = vector.bitcast %get3A_151 : vector<16xf32> to vector<16xi32>
        %shift_right_logical3A_153 = arith.constant 16 : i32
        %shift_right_logical3A_154 = vector.broadcast %shift_right_logical3A_153 : i32 to vector<16xi32>
        %shift_right_logical3A_155 = arith.shrui %bitcast3A_152, %shift_right_logical3A_154 : vector<16xi32>
        %and3A_156 = arith.constant 1 : i32
        %and3A_157 = vector.broadcast %and3A_156 : i32 to vector<16xi32>
        %and3A_158 = arith.andi %shift_right_logical3A_155, %and3A_157 : vector<16xi32>
        %add3A_159 = arith.constant 32767 : i32
        %add3A_160 = vector.broadcast %add3A_159 : i32 to vector<16xi32>
        %add3A_161 = arith.addi %bitcast3A_152, %add3A_160 : vector<16xi32>
        %add3A_162 = arith.addi %add3A_161, %and3A_158 : vector<16xi32>
        %and3A_163 = arith.constant -65536 : i32
        %and3A_164 = vector.broadcast %and3A_163 : i32 to vector<16xi32>
        %and3A_165 = arith.andi %add3A_162, %and3A_164 : vector<16xi32>
        %bitcast3A_166 = vector.bitcast %and3A_165 : vector<16xi32> to vector<16xf32>
        %mul3A_167 = arith.mulf %bitcast3A_149, %bitcast3A_166 : vector<16xf32>
        %add3A_168 = arith.addf %scan3A_56, %mul3A_167 : vector<16xf32>
        %add3A_169 = arith.constant 48 : i32
        %add3A_170 = arith.addi %mul3A_58, %add3A_169 : i32
        %get3A_171 = arith.index_cast %add3A_170 : i32 to index
        %get3A_172 = tpu.vector_load %arg6[%get3A_171] {strides = array<i32>} : memref<2048xf32, #tpu.memory_space<vmem>>, vector<16xf32>,
        %bitcast3A_173 = vector.bitcast %get3A_172 : vector<16xf32> to vector<16xi32>
        %shift_right_logical3A_174 = arith.constant 16 : i32
        %shift_right_logical3A_175 = vector.broadcast %shift_right_logical3A_174 : i32 to vector<16xi32>
        %shift_right_logical3A_176 = arith.shrui %bitcast3A_173, %shift_right_logical3A_175 : vector<16xi32>
        %and3A_177 = arith.constant 1 : i32
        %and3A_178 = vector.broadcast %and3A_177 : i32 to vector<16xi32>
        %and3A_179 = arith.andi %shift_right_logical3A_176, %and3A_178 : vector<16xi32>
        %add3A_180 = arith.constant 32767 : i32
        %add3A_181 = vector.broadcast %add3A_180 : i32 to vector<16xi32>
        %add3A_182 = arith.addi %bitcast3A_173, %add3A_181 : vector<16xi32>
        %add3A_183 = arith.addi %add3A_182, %and3A_179 : vector<16xi32>
        %and3A_184 = arith.constant -65536 : i32
        %and3A_185 = vector.broadcast %and3A_184 : i32 to vector<16xi32>
        %and3A_186 = arith.andi %add3A_183, %and3A_185 : vector<16xi32>
        %bitcast3A_187 = vector.bitcast %and3A_186 : vector<16xi32> to vector<16xf32>
        %get3A_188 = arith.index_cast %add3A_170 : i32 to index
        %get3A_189 = tpu.vector_load %arg7[%get3A_188] {strides = array<i32>} : memref<2048xf32, #tpu.memory_space<vmem>>, vector<16xf32>,
        %bitcast3A_190 = vector.bitcast %get3A_189 : vector<16xf32> to vector<16xi32>
        %shift_right_logical3A_191 = arith.constant 16 : i32
        %shift_right_logical3A_192 = vector.broadcast %shift_right_logical3A_191 : i32 to vector<16xi32>
        %shift_right_logical3A_193 = arith.shrui %bitcast3A_190, %shift_right_logical3A_192 : vector<16xi32>
        %and3A_194 = arith.constant 1 : i32
        %and3A_195 = vector.broadcast %and3A_194 : i32 to vector<16xi32>
        %and3A_196 = arith.andi %shift_right_logical3A_193, %and3A_195 : vector<16xi32>
        %add3A_197 = arith.constant 32767 : i32
        %add3A_198 = vector.broadcast %add3A_197 : i32 to vector<16xi32>
        %add3A_199 = arith.addi %bitcast3A_190, %add3A_198 : vector<16xi32>
        %add3A_200 = arith.addi %add3A_199, %and3A_196 : vector<16xi32>
        %and3A_201 = arith.constant -65536 : i32
        %and3A_202 = vector.broadcast %and3A_201 : i32 to vector<16xi32>
        %and3A_203 = arith.andi %add3A_200, %and3A_202 : vector<16xi32>
        %bitcast3A_204 = vector.bitcast %and3A_203 : vector<16xi32> to vector<16xf32>
        %mul3A_205 = arith.mulf %bitcast3A_187, %bitcast3A_204 : vector<16xf32>
        %add3A_206 = arith.addf %scan3A_57, %mul3A_205 : vector<16xf32>
        %add3A_207 = arith.constant 64 : i32
        %add3A_208 = arith.addi %mul3A_58, %add3A_207 : i32
        %get3A_209 = arith.index_cast %add3A_208 : i32 to index
        %get3A_210 = tpu.vector_load %arg6[%get3A_209] {strides = array<i32>} : memref<2048xf32, #tpu.memory_space<vmem>>, vector<16xf32>,
        %bitcast3A_211 = vector.bitcast %get3A_210 : vector<16xf32> to vector<16xi32>
        %shift_right_logical3A_212 = arith.constant 16 : i32
        %shift_right_logical3A_213 = vector.broadcast %shift_right_logical3A_212 : i32 to vector<16xi32>
        %shift_right_logical3A_214 = arith.shrui %bitcast3A_211, %shift_right_logical3A_213 : vector<16xi32>
        %and3A_215 = arith.constant 1 : i32
        %and3A_216 = vector.broadcast %and3A_215 : i32 to vector<16xi32>
        %and3A_217 = arith.andi %shift_right_logical3A_214, %and3A_216 : vector<16xi32>
        %add3A_218 = arith.constant 32767 : i32
        %add3A_219 = vector.broadcast %add3A_218 : i32 to vector<16xi32>
        %add3A_220 = arith.addi %bitcast3A_211, %add3A_219 : vector<16xi32>
        %add3A_221 = arith.addi %add3A_220, %and3A_217 : vector<16xi32>
        %and3A_222 = arith.constant -65536 : i32
        %and3A_223 = vector.broadcast %and3A_222 : i32 to vector<16xi32>
        %and3A_224 = arith.andi %add3A_221, %and3A_223 : vector<16xi32>
        %bitcast3A_225 = vector.bitcast %and3A_224 : vector<16xi32> to vector<16xf32>
        %get3A_226 = arith.index_cast %add3A_208 : i32 to index
        %get3A_227 = tpu.vector_load %arg7[%get3A_226] {strides = array<i32>} : memref<2048xf32, #tpu.memory_space<vmem>>, vector<16xf32>,
        %bitcast3A_228 = vector.bitcast %get3A_227 : vector<16xf32> to vector<16xi32>
        %shift_right_logical3A_229 = arith.constant 16 : i32
        %shift_right_logical3A_230 = vector.broadcast %shift_right_logical3A_229 : i32 to vector<16xi32>
        %shift_right_logical3A_231 = arith.shrui %bitcast3A_228, %shift_right_logical3A_230 : vector<16xi32>
        %and3A_232 = arith.constant 1 : i32
        %and3A_233 = vector.broadcast %and3A_232 : i32 to vector<16xi32>
        %and3A_234 = arith.andi %shift_right_logical3A_231, %and3A_233 : vector<16xi32>
        %add3A_235 = arith.constant 32767 : i32
        %add3A_236 = vector.broadcast %add3A_235 : i32 to vector<16xi32>
        %add3A_237 = arith.addi %bitcast3A_228, %add3A_236 : vector<16xi32>
        %add3A_238 = arith.addi %add3A_237, %and3A_234 : vector<16xi32>
        %and3A_239 = arith.constant -65536 : i32
        %and3A_240 = vector.broadcast %and3A_239 : i32 to vector<16xi32>
        %and3A_241 = arith.andi %add3A_238, %and3A_240 : vector<16xi32>
        %bitcast3A_242 = vector.bitcast %and3A_241 : vector<16xi32> to vector<16xf32>
        %mul3A_243 = arith.mulf %bitcast3A_225, %bitcast3A_242 : vector<16xf32>
        %add3A_244 = arith.addf %add3A_92, %mul3A_243 : vector<16xf32>
        %add3A_245 = arith.constant 80 : i32
        %add3A_246 = arith.addi %mul3A_58, %add3A_245 : i32
        %get3A_247 = arith.index_cast %add3A_246 : i32 to index
        %get3A_248 = tpu.vector_load %arg6[%get3A_247] {strides = array<i32>} : memref<2048xf32, #tpu.memory_space<vmem>>, vector<16xf32>,
        %bitcast3A_249 = vector.bitcast %get3A_248 : vector<16xf32> to vector<16xi32>
        %shift_right_logical3A_250 = arith.constant 16 : i32
        %shift_right_logical3A_251 = vector.broadcast %shift_right_logical3A_250 : i32 to vector<16xi32>
        %shift_right_logical3A_252 = arith.shrui %bitcast3A_249, %shift_right_logical3A_251 : vector<16xi32>
        %and3A_253 = arith.constant 1 : i32
        %and3A_254 = vector.broadcast %and3A_253 : i32 to vector<16xi32>
        %and3A_255 = arith.andi %shift_right_logical3A_252, %and3A_254 : vector<16xi32>
        %add3A_256 = arith.constant 32767 : i32
        %add3A_257 = vector.broadcast %add3A_256 : i32 to vector<16xi32>
        %add3A_258 = arith.addi %bitcast3A_249, %add3A_257 : vector<16xi32>
        %add3A_259 = arith.addi %add3A_258, %and3A_255 : vector<16xi32>
        %and3A_260 = arith.constant -65536 : i32
        %and3A_261 = vector.broadcast %and3A_260 : i32 to vector<16xi32>
        %and3A_262 = arith.andi %add3A_259, %and3A_261 : vector<16xi32>
        %bitcast3A_263 = vector.bitcast %and3A_262 : vector<16xi32> to vector<16xf32>
        %get3A_264 = arith.index_cast %add3A_246 : i32 to index
        %get3A_265 = tpu.vector_load %arg7[%get3A_264] {strides = array<i32>} : memref<2048xf32, #tpu.memory_space<vmem>>, vector<16xf32>,
        %bitcast3A_266 = vector.bitcast %get3A_265 : vector<16xf32> to vector<16xi32>
        %shift_right_logical3A_267 = arith.constant 16 : i32
        %shift_right_logical3A_268 = vector.broadcast %shift_right_logical3A_267 : i32 to vector<16xi32>
        %shift_right_logical3A_269 = arith.shrui %bitcast3A_266, %shift_right_logical3A_268 : vector<16xi32>
        %and3A_270 = arith.constant 1 : i32
        %and3A_271 = vector.broadcast %and3A_270 : i32 to vector<16xi32>
        %and3A_272 = arith.andi %shift_right_logical3A_269, %and3A_271 : vector<16xi32>
        %add3A_273 = arith.constant 32767 : i32
        %add3A_274 = vector.broadcast %add3A_273 : i32 to vector<16xi32>
        %add3A_275 = arith.addi %bitcast3A_266, %add3A_274 : vector<16xi32>
        %add3A_276 = arith.addi %add3A_275, %and3A_272 : vector<16xi32>
        %and3A_277 = arith.constant -65536 : i32
        %and3A_278 = vector.broadcast %and3A_277 : i32 to vector<16xi32>
        %and3A_279 = arith.andi %add3A_276, %and3A_278 : vector<16xi32>
        %bitcast3A_280 = vector.bitcast %and3A_279 : vector<16xi32> to vector<16xf32>
        %mul3A_281 = arith.mulf %bitcast3A_263, %bitcast3A_280 : vector<16xf32>
        %add3A_282 = arith.addf %add3A_130, %mul3A_281 : vector<16xf32>
        %add3A_283 = arith.constant 96 : i32
        %add3A_284 = arith.addi %mul3A_58, %add3A_283 : i32
        %get3A_285 = arith.index_cast %add3A_284 : i32 to index
        %get3A_286 = tpu.vector_load %arg6[%get3A_285] {strides = array<i32>} : memref<2048xf32, #tpu.memory_space<vmem>>, vector<16xf32>,
        %bitcast3A_287 = vector.bitcast %get3A_286 : vector<16xf32> to vector<16xi32>
        %shift_right_logical3A_288 = arith.constant 16 : i32
        %shift_right_logical3A_289 = vector.broadcast %shift_right_logical3A_288 : i32 to vector<16xi32>
        %shift_right_logical3A_290 = arith.shrui %bitcast3A_287, %shift_right_logical3A_289 : vector<16xi32>
        %and3A_291 = arith.constant 1 : i32
        %and3A_292 = vector.broadcast %and3A_291 : i32 to vector<16xi32>
        %and3A_293 = arith.andi %shift_right_logical3A_290, %and3A_292 : vector<16xi32>
        %add3A_294 = arith.constant 32767 : i32
        %add3A_295 = vector.broadcast %add3A_294 : i32 to vector<16xi32>
        %add3A_296 = arith.addi %bitcast3A_287, %add3A_295 : vector<16xi32>
        %add3A_297 = arith.addi %add3A_296, %and3A_293 : vector<16xi32>
        %and3A_298 = arith.constant -65536 : i32
        %and3A_299 = vector.broadcast %and3A_298 : i32 to vector<16xi32>
        %and3A_300 = arith.andi %add3A_297, %and3A_299 : vector<16xi32>
        %bitcast3A_301 = vector.bitcast %and3A_300 : vector<16xi32> to vector<16xf32>
        %get3A_302 = arith.index_cast %add3A_284 : i32 to index
        %get3A_303 = tpu.vector_load %arg7[%get3A_302] {strides = array<i32>} : memref<2048xf32, #tpu.memory_space<vmem>>, vector<16xf32>,
        %bitcast3A_304 = vector.bitcast %get3A_303 : vector<16xf32> to vector<16xi32>
        %shift_right_logical3A_305 = arith.constant 16 : i32
        %shift_right_logical3A_306 = vector.broadcast %shift_right_logical3A_305 : i32 to vector<16xi32>
        %shift_right_logical3A_307 = arith.shrui %bitcast3A_304, %shift_right_logical3A_306 : vector<16xi32>
        %and3A_308 = arith.constant 1 : i32
        %and3A_309 = vector.broadcast %and3A_308 : i32 to vector<16xi32>
        %and3A_310 = arith.andi %shift_right_logical3A_307, %and3A_309 : vector<16xi32>
        %add3A_311 = arith.constant 32767 : i32
        %add3A_312 = vector.broadcast %add3A_311 : i32 to vector<16xi32>
        %add3A_313 = arith.addi %bitcast3A_304, %add3A_312 : vector<16xi32>
        %add3A_314 = arith.addi %add3A_313, %and3A_310 : vector<16xi32>
        %and3A_315 = arith.constant -65536 : i32
        %and3A_316 = vector.broadcast %and3A_315 : i32 to vector<16xi32>
        %and3A_317 = arith.andi %add3A_314, %and3A_316 : vector<16xi32>
        %bitcast3A_318 = vector.bitcast %and3A_317 : vector<16xi32> to vector<16xf32>
        %mul3A_319 = arith.mulf %bitcast3A_301, %bitcast3A_318 : vector<16xf32>
        %add3A_320 = arith.addf %add3A_168, %mul3A_319 : vector<16xf32>
        %add3A_321 = arith.constant 112 : i32
        %add3A_322 = arith.addi %mul3A_58, %add3A_321 : i32
        %get3A_323 = arith.index_cast %add3A_322 : i32 to index
        %get3A_324 = tpu.vector_load %arg6[%get3A_323] {strides = array<i32>} : memref<2048xf32, #tpu.memory_space<vmem>>, vector<16xf32>,
        %bitcast3A_325 = vector.bitcast %get3A_324 : vector<16xf32> to vector<16xi32>
        %shift_right_logical3A_326 = arith.constant 16 : i32
        %shift_right_logical3A_327 = vector.broadcast %shift_right_logical3A_326 : i32 to vector<16xi32>
        %shift_right_logical3A_328 = arith.shrui %bitcast3A_325, %shift_right_logical3A_327 : vector<16xi32>
        %and3A_329 = arith.constant 1 : i32
        %and3A_330 = vector.broadcast %and3A_329 : i32 to vector<16xi32>
        %and3A_331 = arith.andi %shift_right_logical3A_328, %and3A_330 : vector<16xi32>
        %add3A_332 = arith.constant 32767 : i32
        %add3A_333 = vector.broadcast %add3A_332 : i32 to vector<16xi32>
        %add3A_334 = arith.addi %bitcast3A_325, %add3A_333 : vector<16xi32>
        %add3A_335 = arith.addi %add3A_334, %and3A_331 : vector<16xi32>
        %and3A_336 = arith.constant -65536 : i32
        %and3A_337 = vector.broadcast %and3A_336 : i32 to vector<16xi32>
        %and3A_338 = arith.andi %add3A_335, %and3A_337 : vector<16xi32>
        %bitcast3A_339 = vector.bitcast %and3A_338 : vector<16xi32> to vector<16xf32>
        %get3A_340 = arith.index_cast %add3A_322 : i32 to index
        %get3A_341 = tpu.vector_load %arg7[%get3A_340] {strides = array<i32>} : memref<2048xf32, #tpu.memory_space<vmem>>, vector<16xf32>,
        %bitcast3A_342 = vector.bitcast %get3A_341 : vector<16xf32> to vector<16xi32>
        %shift_right_logical3A_343 = arith.constant 16 : i32
        %shift_right_logical3A_344 = vector.broadcast %shift_right_logical3A_343 : i32 to vector<16xi32>
        %shift_right_logical3A_345 = arith.shrui %bitcast3A_342, %shift_right_logical3A_344 : vector<16xi32>
        %and3A_346 = arith.constant 1 : i32
        %and3A_347 = vector.broadcast %and3A_346 : i32 to vector<16xi32>
        %and3A_348 = arith.andi %shift_right_logical3A_345, %and3A_347 : vector<16xi32>
        %add3A_349 = arith.constant 32767 : i32
        %add3A_350 = vector.broadcast %add3A_349 : i32 to vector<16xi32>
        %add3A_351 = arith.addi %bitcast3A_342, %add3A_350 : vector<16xi32>
        %add3A_352 = arith.addi %add3A_351, %and3A_348 : vector<16xi32>
        %and3A_353 = arith.constant -65536 : i32
        %and3A_354 = vector.broadcast %and3A_353 : i32 to vector<16xi32>
        %and3A_355 = arith.andi %add3A_352, %and3A_354 : vector<16xi32>
        %bitcast3A_356 = vector.bitcast %and3A_355 : vector<16xi32> to vector<16xf32>
        %mul3A_357 = arith.mulf %bitcast3A_339, %bitcast3A_356 : vector<16xf32>
        %add3A_358 = arith.addf %add3A_206, %mul3A_357 : vector<16xf32>
        scf.yield %add3A_244, %add3A_282, %add3A_320, %add3A_358 : vector<16xf32>, vector<16xf32>, vector<16xf32>, vector<16xf32>
      }
      %scan3A_11 = arith.constant 16 : i32
      %add3A = arith.addf %scan3A_10#0, %scan3A_10#1 : vector<16xf32>
      %add3A_12 = arith.addf %scan3A_10#2, %scan3A_10#3 : vector<16xf32>
      %add3A_13 = arith.addf %add3A, %add3A_12 : vector<16xf32>
      %add3A_14 = arith.constant 8 : i32
      %add3A_15 = vector.broadcast %add3A_14 : i32 to vector<16xi32>
      %add3A_16 = arith.addi %iota3A, %add3A_15 : vector<16xi32>
      %rem3A = arith.constant 16 : i32
      %rem3A_17 = vector.broadcast %rem3A : i32 to vector<16xi32>
      %rem3A_18 = arith.remsi %add3A_16, %rem3A_17 : vector<16xi32>
      %broadcast_in_dim3A_19 = vector.shape_cast %rem3A_18 : vector<16xi32> to vector<16x1xi32>
      %gather3A = vector.shape_cast %broadcast_in_dim3A_19 : vector<16x1xi32> to vector<16xi32>
      %gather3A_20 = tpu.dynamic_gather %add3A_13[%gather3A] in [0] : vector<16xf32>, vector<16xi32> -> vector<16xf32>
      %add3A_21 = arith.addf %add3A_13, %gather3A_20 : vector<16xf32>
      %add3A_22 = arith.constant 4 : i32
      %add3A_23 = vector.broadcast %add3A_22 : i32 to vector<16xi32>
      %add3A_24 = arith.addi %iota3A, %add3A_23 : vector<16xi32>
      %rem3A_25 = arith.constant 16 : i32
      %rem3A_26 = vector.broadcast %rem3A_25 : i32 to vector<16xi32>
      %rem3A_27 = arith.remsi %add3A_24, %rem3A_26 : vector<16xi32>
      %broadcast_in_dim3A_28 = vector.shape_cast %rem3A_27 : vector<16xi32> to vector<16x1xi32>
      %gather3A_29 = vector.shape_cast %broadcast_in_dim3A_28 : vector<16x1xi32> to vector<16xi32>
      %gather3A_30 = tpu.dynamic_gather %add3A_21[%gather3A_29] in [0] : vector<16xf32>, vector<16xi32> -> vector<16xf32>
      %add3A_31 = arith.addf %add3A_21, %gather3A_30 : vector<16xf32>
      %add3A_32 = arith.constant 2 : i32
      %add3A_33 = vector.broadcast %add3A_32 : i32 to vector<16xi32>
      %add3A_34 = arith.addi %iota3A, %add3A_33 : vector<16xi32>
      %rem3A_35 = arith.constant 16 : i32
      %rem3A_36 = vector.broadcast %rem3A_35 : i32 to vector<16xi32>
      %rem3A_37 = arith.remsi %add3A_34, %rem3A_36 : vector<16xi32>
      %broadcast_in_dim3A_38 = vector.shape_cast %rem3A_37 : vector<16xi32> to vector<16x1xi32>
      %gather3A_39 = vector.shape_cast %broadcast_in_dim3A_38 : vector<16x1xi32> to vector<16xi32>
      %gather3A_40 = tpu.dynamic_gather %add3A_31[%gather3A_39] in [0] : vector<16xf32>, vector<16xi32> -> vector<16xf32>
      %add3A_41 = arith.addf %add3A_31, %gather3A_40 : vector<16xf32>
      %add3A_42 = arith.constant 1 : i32
      %add3A_43 = vector.broadcast %add3A_42 : i32 to vector<16xi32>
      %add3A_44 = arith.addi %iota3A, %add3A_43 : vector<16xi32>
      %rem3A_45 = arith.constant 16 : i32
      %rem3A_46 = vector.broadcast %rem3A_45 : i32 to vector<16xi32>
      %rem3A_47 = arith.remsi %add3A_44, %rem3A_46 : vector<16xi32>
      %broadcast_in_dim3A_48 = vector.shape_cast %rem3A_47 : vector<16xi32> to vector<16x1xi32>
      %gather3A_49 = vector.shape_cast %broadcast_in_dim3A_48 : vector<16x1xi32> to vector<16xi32>
      %gather3A_50 = tpu.dynamic_gather %add3A_41[%gather3A_49] in [0] : vector<16xf32>, vector<16xi32> -> vector<16xf32>
      %add3A_51 = arith.addf %add3A_41, %gather3A_50 : vector<16xf32>
      %swap3A = arith.constant 0 : index
      %swap3A_52 = tpu.vector_load %arg8[%swap3A] {strides = array<i32>} : memref<16xf32, #tpu.memory_space<vmem>>, vector<16xf32>,
      tpu.vector_store %arg8[%swap3A], %add3A_51 {strides = array<i32>} : memref<16xf32, #tpu.memory_space<vmem>>, vector<16xf32>,
      "tpu.region"() ({
        %run_scoped3A_53 = tpu.sem_alloc : memref<!tpu.dma_semaphore, #tpu.memory_space<semaphore_mem>>
        %dma_start3A = arith.constant 0 : i32
        %dma_start3A_54 = tpu.memref_slice %arg12[%arg0, %arg1, %dma_start3A] : memref<2x8x16xf32, #tpu.memory_space<vmem_shared>> -> memref<1x1x16xf32, #tpu.memory_space<vmem_shared>>
        %dma_start3A_55 = tpu.memref_squeeze %dma_start3A_54 : memref<1x1x16xf32, #tpu.memory_space<vmem_shared>> -> memref<16xf32, #tpu.memory_space<vmem_shared>>
        %dma_start3A_56 = arith.constant 0 : i32
        %dma_start3A_57 = tpu.memref_slice %arg12[%arg0, %arg1, %dma_start3A_56] : memref<2x8x16xf32, #tpu.memory_space<vmem_shared>> -> memref<1x1x16xf32, #tpu.memory_space<vmem_shared>>
        %dma_start3A_58 = tpu.memref_squeeze %dma_start3A_57 : memref<1x1x16xf32, #tpu.memory_space<vmem_shared>> -> memref<16xf32, #tpu.memory_space<vmem_shared>>
        tpu.enqueue_dma source(%arg8 : memref<16xf32, #tpu.memory_space<vmem>>) target(%dma_start3A_58 : memref<16xf32, #tpu.memory_space<vmem_shared>>) target_semaphore(%run_scoped3A_53 : memref<!tpu.dma_semaphore, #tpu.memory_space<semaphore_mem>>)
        %dma_wait3A = arith.constant 0 : i32
        %dma_wait3A_59 = tpu.memref_slice %arg12[%arg0, %arg1, %dma_wait3A] : memref<2x8x16xf32, #tpu.memory_space<vmem_shared>> -> memref<1x1x16xf32, #tpu.memory_space<vmem_shared>>
        %dma_wait3A_60 = tpu.memref_squeeze %dma_wait3A_59 : memref<1x1x16xf32, #tpu.memory_space<vmem_shared>> -> memref<16xf32, #tpu.memory_space<vmem_shared>>
        %dma_wait3A_61 = arith.constant 0 : i32
        %dma_wait3A_62 = tpu.memref_slice %arg12[%arg0, %arg1, %dma_wait3A_61] : memref<2x8x16xf32, #tpu.memory_space<vmem_shared>> -> memref<1x1x16xf32, #tpu.memory_space<vmem_shared>>
        %dma_wait3A_63 = tpu.memref_squeeze %dma_wait3A_62 : memref<1x1x16xf32, #tpu.memory_space<vmem_shared>> -> memref<16xf32, #tpu.memory_space<vmem_shared>>
        tpu.wait_dma2 semaphore(%run_scoped3A_53 : memref<!tpu.dma_semaphore, #tpu.memory_space<semaphore_mem>>) src(%arg8 : memref<16xf32, #tpu.memory_space<vmem>>) dst(%dma_wait3A_63 : memref<16xf32, #tpu.memory_space<vmem_shared>>)
        tpu.yield
      }) : () -> ()
    } else {
    }
    %barrier3A = arith.constant 0 : index
    tpu.barrier barrier_id(%barrier3A)
    %eq3A = arith.constant 0 : i32
    %eq3A_2 = arith.cmpi eq, %arg1, %eq3A : i32
    %convert_element_type3A_3 = arith.extui %eq3A_2 : i1 to i32
    %cond3A_4 = arith.constant 0 : i32
    %cond3A_5 = arith.cmpi ne, %convert_element_type3A_3, %cond3A_4 : i32
    scf.if %cond3A_5 {
      "tpu.region"() ({
        %run_scoped3A = tpu.sem_alloc : memref<!tpu.dma_semaphore, #tpu.memory_space<semaphore_mem>>
        %dma_start3A = arith.constant 0 : i32
        %dma_start3A_264 = arith.constant 0 : i32
        %dma_start3A_265 = tpu.memref_slice %arg12[%arg0, %dma_start3A, %dma_start3A_264] : memref<2x8x16xf32, #tpu.memory_space<vmem_shared>> -> memref<1x8x16xf32, #tpu.memory_space<vmem_shared>>
        %dma_start3A_266 = tpu.memref_squeeze %dma_start3A_265 : memref<1x8x16xf32, #tpu.memory_space<vmem_shared>> -> memref<8x16xf32, #tpu.memory_space<vmem_shared>>
        %dma_start3A_267 = arith.constant 0 : i32
        %dma_start3A_268 = arith.constant 0 : i32
        %dma_start3A_269 = tpu.memref_slice %arg12[%arg0, %dma_start3A_267, %dma_start3A_268] : memref<2x8x16xf32, #tpu.memory_space<vmem_shared>> -> memref<1x8x16xf32, #tpu.memory_space<vmem_shared>>
        %dma_start3A_270 = tpu.memref_squeeze %dma_start3A_269 : memref<1x8x16xf32, #tpu.memory_space<vmem_shared>> -> memref<8x16xf32, #tpu.memory_space<vmem_shared>>
        tpu.enqueue_dma source(%dma_start3A_270 : memref<8x16xf32, #tpu.memory_space<vmem_shared>>) target(%arg9 : memref<8x16xf32, #tpu.memory_space<vmem>>) target_semaphore(%run_scoped3A : memref<!tpu.dma_semaphore, #tpu.memory_space<semaphore_mem>>)
        %dma_wait3A = arith.constant 0 : i32
        %dma_wait3A_271 = arith.constant 0 : i32
        %dma_wait3A_272 = tpu.memref_slice %arg12[%arg0, %dma_wait3A, %dma_wait3A_271] : memref<2x8x16xf32, #tpu.memory_space<vmem_shared>> -> memref<1x8x16xf32, #tpu.memory_space<vmem_shared>>
        %dma_wait3A_273 = tpu.memref_squeeze %dma_wait3A_272 : memref<1x8x16xf32, #tpu.memory_space<vmem_shared>> -> memref<8x16xf32, #tpu.memory_space<vmem_shared>>
        %dma_wait3A_274 = arith.constant 0 : i32
        %dma_wait3A_275 = arith.constant 0 : i32
        %dma_wait3A_276 = tpu.memref_slice %arg12[%arg0, %dma_wait3A_274, %dma_wait3A_275] : memref<2x8x16xf32, #tpu.memory_space<vmem_shared>> -> memref<1x8x16xf32, #tpu.memory_space<vmem_shared>>
        %dma_wait3A_277 = tpu.memref_squeeze %dma_wait3A_276 : memref<1x8x16xf32, #tpu.memory_space<vmem_shared>> -> memref<8x16xf32, #tpu.memory_space<vmem_shared>>
        tpu.wait_dma2 semaphore(%run_scoped3A : memref<!tpu.dma_semaphore, #tpu.memory_space<semaphore_mem>>) src(%dma_wait3A_277 : memref<8x16xf32, #tpu.memory_space<vmem_shared>>) dst(%arg9 : memref<8x16xf32, #tpu.memory_space<vmem>>)
        tpu.yield
      }) : () -> ()
      %broadcast_in_dim3A = arith.constant 0xFF800000 : f32
      %broadcast_in_dim3A_6 = vector.broadcast %broadcast_in_dim3A : f32 to vector<16xf32>
      %eq3A_7 = arith.constant 0 : i32
      %eq3A_8 = vector.broadcast %eq3A_7 : i32 to vector<16xi32>
      %eq3A_9 = arith.cmpi eq, %iota3A, %eq3A_8 : vector<16xi32>
      %get3A = arith.constant 0 : i32
      %get3A_10 = arith.index_cast %get3A : i32 to index
      %get3A_11 = arith.constant 0 : index
      %get3A_12 = tpu.vector_load %arg9[%get3A_10, %get3A_11] {strides = array<i32>} : memref<8x16xf32, #tpu.memory_space<vmem>>, vector<16xf32>,
      %select_n3A = arith.select %eq3A_9, %get3A_12, %broadcast_in_dim3A_6 : vector<16xi1>, vector<16xf32>
      %eq3A_13 = arith.constant 1 : i32
      %eq3A_14 = vector.broadcast %eq3A_13 : i32 to vector<16xi32>
      %eq3A_15 = arith.cmpi eq, %iota3A, %eq3A_14 : vector<16xi32>
      %get3A_16 = arith.constant 1 : i32
      %get3A_17 = arith.index_cast %get3A_16 : i32 to index
      %get3A_18 = arith.constant 0 : index
      %get3A_19 = tpu.vector_load %arg9[%get3A_17, %get3A_18] {strides = array<i32>} : memref<8x16xf32, #tpu.memory_space<vmem>>, vector<16xf32>,
      %select_n3A_20 = arith.select %eq3A_15, %get3A_19, %select_n3A : vector<16xi1>, vector<16xf32>
      %eq3A_21 = arith.constant 2 : i32
      %eq3A_22 = vector.broadcast %eq3A_21 : i32 to vector<16xi32>
      %eq3A_23 = arith.cmpi eq, %iota3A, %eq3A_22 : vector<16xi32>
      %get3A_24 = arith.constant 2 : i32
      %get3A_25 = arith.index_cast %get3A_24 : i32 to index
      %get3A_26 = arith.constant 0 : index
      %get3A_27 = tpu.vector_load %arg9[%get3A_25, %get3A_26] {strides = array<i32>} : memref<8x16xf32, #tpu.memory_space<vmem>>, vector<16xf32>,
      %select_n3A_28 = arith.select %eq3A_23, %get3A_27, %select_n3A_20 : vector<16xi1>, vector<16xf32>
      %eq3A_29 = arith.constant 3 : i32
      %eq3A_30 = vector.broadcast %eq3A_29 : i32 to vector<16xi32>
      %eq3A_31 = arith.cmpi eq, %iota3A, %eq3A_30 : vector<16xi32>
      %get3A_32 = arith.constant 3 : i32
      %get3A_33 = arith.index_cast %get3A_32 : i32 to index
      %get3A_34 = arith.constant 0 : index
      %get3A_35 = tpu.vector_load %arg9[%get3A_33, %get3A_34] {strides = array<i32>} : memref<8x16xf32, #tpu.memory_space<vmem>>, vector<16xf32>,
      %select_n3A_36 = arith.select %eq3A_31, %get3A_35, %select_n3A_28 : vector<16xi1>, vector<16xf32>
      %eq3A_37 = arith.constant 4 : i32
      %eq3A_38 = vector.broadcast %eq3A_37 : i32 to vector<16xi32>
      %eq3A_39 = arith.cmpi eq, %iota3A, %eq3A_38 : vector<16xi32>
      %get3A_40 = arith.constant 4 : i32
      %get3A_41 = arith.index_cast %get3A_40 : i32 to index
      %get3A_42 = arith.constant 0 : index
      %get3A_43 = tpu.vector_load %arg9[%get3A_41, %get3A_42] {strides = array<i32>} : memref<8x16xf32, #tpu.memory_space<vmem>>, vector<16xf32>,
      %select_n3A_44 = arith.select %eq3A_39, %get3A_43, %select_n3A_36 : vector<16xi1>, vector<16xf32>
      %eq3A_45 = arith.constant 5 : i32
      %eq3A_46 = vector.broadcast %eq3A_45 : i32 to vector<16xi32>
      %eq3A_47 = arith.cmpi eq, %iota3A, %eq3A_46 : vector<16xi32>
      %get3A_48 = arith.constant 5 : i32
      %get3A_49 = arith.index_cast %get3A_48 : i32 to index
      %get3A_50 = arith.constant 0 : index
      %get3A_51 = tpu.vector_load %arg9[%get3A_49, %get3A_50] {strides = array<i32>} : memref<8x16xf32, #tpu.memory_space<vmem>>, vector<16xf32>,
      %select_n3A_52 = arith.select %eq3A_47, %get3A_51, %select_n3A_44 : vector<16xi1>, vector<16xf32>
      %eq3A_53 = arith.constant 6 : i32
      %eq3A_54 = vector.broadcast %eq3A_53 : i32 to vector<16xi32>
      %eq3A_55 = arith.cmpi eq, %iota3A, %eq3A_54 : vector<16xi32>
      %get3A_56 = arith.constant 6 : i32
      %get3A_57 = arith.index_cast %get3A_56 : i32 to index
      %get3A_58 = arith.constant 0 : index
      %get3A_59 = tpu.vector_load %arg9[%get3A_57, %get3A_58] {strides = array<i32>} : memref<8x16xf32, #tpu.memory_space<vmem>>, vector<16xf32>,
      %select_n3A_60 = arith.select %eq3A_55, %get3A_59, %select_n3A_52 : vector<16xi1>, vector<16xf32>
      %eq3A_61 = arith.constant 7 : i32
      %eq3A_62 = vector.broadcast %eq3A_61 : i32 to vector<16xi32>
      %eq3A_63 = arith.cmpi eq, %iota3A, %eq3A_62 : vector<16xi32>
      %get3A_64 = arith.constant 7 : i32
      %get3A_65 = arith.index_cast %get3A_64 : i32 to index
      %get3A_66 = arith.constant 0 : index
      %get3A_67 = tpu.vector_load %arg9[%get3A_65, %get3A_66] {strides = array<i32>} : memref<8x16xf32, #tpu.memory_space<vmem>>, vector<16xf32>,
      %select_n3A_68 = arith.select %eq3A_63, %get3A_67, %select_n3A_60 : vector<16xi1>, vector<16xf32>
      %add3A = arith.constant 8 : i32
      %add3A_69 = vector.broadcast %add3A : i32 to vector<16xi32>
      %add3A_70 = arith.addi %iota3A, %add3A_69 : vector<16xi32>
      %rem3A = arith.constant 16 : i32
      %rem3A_71 = vector.broadcast %rem3A : i32 to vector<16xi32>
      %rem3A_72 = arith.remsi %add3A_70, %rem3A_71 : vector<16xi32>
      %broadcast_in_dim3A_73 = vector.shape_cast %rem3A_72 : vector<16xi32> to vector<16x1xi32>
      %gather3A = vector.shape_cast %broadcast_in_dim3A_73 : vector<16x1xi32> to vector<16xi32>
      %gather3A_74 = tpu.dynamic_gather %select_n3A_68[%gather3A] in [0] : vector<16xf32>, vector<16xi32> -> vector<16xf32>
      %max3A = arith.maximumf %select_n3A_68, %gather3A_74 : vector<16xf32>
      %add3A_75 = arith.constant 4 : i32
      %add3A_76 = vector.broadcast %add3A_75 : i32 to vector<16xi32>
      %add3A_77 = arith.addi %iota3A, %add3A_76 : vector<16xi32>
      %rem3A_78 = arith.constant 16 : i32
      %rem3A_79 = vector.broadcast %rem3A_78 : i32 to vector<16xi32>
      %rem3A_80 = arith.remsi %add3A_77, %rem3A_79 : vector<16xi32>
      %broadcast_in_dim3A_81 = vector.shape_cast %rem3A_80 : vector<16xi32> to vector<16x1xi32>
      %gather3A_82 = vector.shape_cast %broadcast_in_dim3A_81 : vector<16x1xi32> to vector<16xi32>
      %gather3A_83 = tpu.dynamic_gather %max3A[%gather3A_82] in [0] : vector<16xf32>, vector<16xi32> -> vector<16xf32>
      %max3A_84 = arith.maximumf %max3A, %gather3A_83 : vector<16xf32>
      %add3A_85 = arith.constant 2 : i32
      %add3A_86 = vector.broadcast %add3A_85 : i32 to vector<16xi32>
      %add3A_87 = arith.addi %iota3A, %add3A_86 : vector<16xi32>
      %rem3A_88 = arith.constant 16 : i32
      %rem3A_89 = vector.broadcast %rem3A_88 : i32 to vector<16xi32>
      %rem3A_90 = arith.remsi %add3A_87, %rem3A_89 : vector<16xi32>
      %broadcast_in_dim3A_91 = vector.shape_cast %rem3A_90 : vector<16xi32> to vector<16x1xi32>
      %gather3A_92 = vector.shape_cast %broadcast_in_dim3A_91 : vector<16x1xi32> to vector<16xi32>
      %gather3A_93 = tpu.dynamic_gather %max3A_84[%gather3A_92] in [0] : vector<16xf32>, vector<16xi32> -> vector<16xf32>
      %max3A_94 = arith.maximumf %max3A_84, %gather3A_93 : vector<16xf32>
      %add3A_95 = arith.constant 1 : i32
      %add3A_96 = vector.broadcast %add3A_95 : i32 to vector<16xi32>
      %add3A_97 = arith.addi %iota3A, %add3A_96 : vector<16xi32>
      %rem3A_98 = arith.constant 16 : i32
      %rem3A_99 = vector.broadcast %rem3A_98 : i32 to vector<16xi32>
      %rem3A_100 = arith.remsi %add3A_97, %rem3A_99 : vector<16xi32>
      %broadcast_in_dim3A_101 = vector.shape_cast %rem3A_100 : vector<16xi32> to vector<16x1xi32>
      %gather3A_102 = vector.shape_cast %broadcast_in_dim3A_101 : vector<16x1xi32> to vector<16xi32>
      %gather3A_103 = tpu.dynamic_gather %max3A_94[%gather3A_102] in [0] : vector<16xf32>, vector<16xi32> -> vector<16xf32>
      %max3A_104 = arith.maximumf %max3A_94, %gather3A_103 : vector<16xf32>
      %eq3A_105 = arith.cmpf oeq, %select_n3A_68, %max3A_104 : vector<16xf32>
      %jit3A = arith.constant 16 : i32
      %broadcast_in_dim3A_106 = vector.broadcast %jit3A : i32 to vector<16xi32>
      %select_n3A_107 = arith.select %eq3A_105, %iota3A, %broadcast_in_dim3A_106 : vector<16xi1>, vector<16xi32>
      %add3A_108 = arith.constant 8 : i32
      %add3A_109 = vector.broadcast %add3A_108 : i32 to vector<16xi32>
      %add3A_110 = arith.addi %iota3A, %add3A_109 : vector<16xi32>
      %rem3A_111 = arith.constant 16 : i32
      %rem3A_112 = vector.broadcast %rem3A_111 : i32 to vector<16xi32>
      %rem3A_113 = arith.remsi %add3A_110, %rem3A_112 : vector<16xi32>
      %broadcast_in_dim3A_114 = vector.shape_cast %rem3A_113 : vector<16xi32> to vector<16x1xi32>
      %gather3A_115 = vector.shape_cast %broadcast_in_dim3A_114 : vector<16x1xi32> to vector<16xi32>
      %gather3A_116 = tpu.dynamic_gather %select_n3A_107[%gather3A_115] in [0] : vector<16xi32>, vector<16xi32> -> vector<16xi32>
      %min3A = arith.minsi %select_n3A_107, %gather3A_116 : vector<16xi32>
      %add3A_117 = arith.constant 4 : i32
      %add3A_118 = vector.broadcast %add3A_117 : i32 to vector<16xi32>
      %add3A_119 = arith.addi %iota3A, %add3A_118 : vector<16xi32>
      %rem3A_120 = arith.constant 16 : i32
      %rem3A_121 = vector.broadcast %rem3A_120 : i32 to vector<16xi32>
      %rem3A_122 = arith.remsi %add3A_119, %rem3A_121 : vector<16xi32>
      %broadcast_in_dim3A_123 = vector.shape_cast %rem3A_122 : vector<16xi32> to vector<16x1xi32>
      %gather3A_124 = vector.shape_cast %broadcast_in_dim3A_123 : vector<16x1xi32> to vector<16xi32>
      %gather3A_125 = tpu.dynamic_gather %min3A[%gather3A_124] in [0] : vector<16xi32>, vector<16xi32> -> vector<16xi32>
      %min3A_126 = arith.minsi %min3A, %gather3A_125 : vector<16xi32>
      %add3A_127 = arith.constant 2 : i32
      %add3A_128 = vector.broadcast %add3A_127 : i32 to vector<16xi32>
      %add3A_129 = arith.addi %iota3A, %add3A_128 : vector<16xi32>
      %rem3A_130 = arith.constant 16 : i32
      %rem3A_131 = vector.broadcast %rem3A_130 : i32 to vector<16xi32>
      %rem3A_132 = arith.remsi %add3A_129, %rem3A_131 : vector<16xi32>
      %broadcast_in_dim3A_133 = vector.shape_cast %rem3A_132 : vector<16xi32> to vector<16x1xi32>
      %gather3A_134 = vector.shape_cast %broadcast_in_dim3A_133 : vector<16x1xi32> to vector<16xi32>
      %gather3A_135 = tpu.dynamic_gather %min3A_126[%gather3A_134] in [0] : vector<16xi32>, vector<16xi32> -> vector<16xi32>
      %min3A_136 = arith.minsi %min3A_126, %gather3A_135 : vector<16xi32>
      %add3A_137 = arith.constant 1 : i32
      %add3A_138 = vector.broadcast %add3A_137 : i32 to vector<16xi32>
      %add3A_139 = arith.addi %iota3A, %add3A_138 : vector<16xi32>
      %rem3A_140 = arith.constant 16 : i32
      %rem3A_141 = vector.broadcast %rem3A_140 : i32 to vector<16xi32>
      %rem3A_142 = arith.remsi %add3A_139, %rem3A_141 : vector<16xi32>
      %broadcast_in_dim3A_143 = vector.shape_cast %rem3A_142 : vector<16xi32> to vector<16x1xi32>
      %gather3A_144 = vector.shape_cast %broadcast_in_dim3A_143 : vector<16x1xi32> to vector<16xi32>
      %gather3A_145 = tpu.dynamic_gather %min3A_136[%gather3A_144] in [0] : vector<16xi32>, vector<16xi32> -> vector<16xi32>
      %min3A_146 = arith.minsi %min3A_136, %gather3A_145 : vector<16xi32>
      %eq3A_147 = arith.cmpi eq, %iota3A, %min3A_146 : vector<16xi32>
      %jit3A_148 = arith.constant 0xFF800000 : f32
      %broadcast_in_dim3A_149 = vector.broadcast %jit3A_148 : f32 to vector<16xf32>
      %select_n3A_150 = arith.select %eq3A_147, %broadcast_in_dim3A_149, %select_n3A_68 : vector<16xi1>, vector<16xf32>
      %add3A_151 = arith.constant 8 : i32
      %add3A_152 = vector.broadcast %add3A_151 : i32 to vector<16xi32>
      %add3A_153 = arith.addi %iota3A, %add3A_152 : vector<16xi32>
      %rem3A_154 = arith.constant 16 : i32
      %rem3A_155 = vector.broadcast %rem3A_154 : i32 to vector<16xi32>
      %rem3A_156 = arith.remsi %add3A_153, %rem3A_155 : vector<16xi32>
      %broadcast_in_dim3A_157 = vector.shape_cast %rem3A_156 : vector<16xi32> to vector<16x1xi32>
      %gather3A_158 = vector.shape_cast %broadcast_in_dim3A_157 : vector<16x1xi32> to vector<16xi32>
      %gather3A_159 = tpu.dynamic_gather %select_n3A_150[%gather3A_158] in [0] : vector<16xf32>, vector<16xi32> -> vector<16xf32>
      %max3A_160 = arith.maximumf %select_n3A_150, %gather3A_159 : vector<16xf32>
      %add3A_161 = arith.constant 4 : i32
      %add3A_162 = vector.broadcast %add3A_161 : i32 to vector<16xi32>
      %add3A_163 = arith.addi %iota3A, %add3A_162 : vector<16xi32>
      %rem3A_164 = arith.constant 16 : i32
      %rem3A_165 = vector.broadcast %rem3A_164 : i32 to vector<16xi32>
      %rem3A_166 = arith.remsi %add3A_163, %rem3A_165 : vector<16xi32>
      %broadcast_in_dim3A_167 = vector.shape_cast %rem3A_166 : vector<16xi32> to vector<16x1xi32>
      %gather3A_168 = vector.shape_cast %broadcast_in_dim3A_167 : vector<16x1xi32> to vector<16xi32>
      %gather3A_169 = tpu.dynamic_gather %max3A_160[%gather3A_168] in [0] : vector<16xf32>, vector<16xi32> -> vector<16xf32>
      %max3A_170 = arith.maximumf %max3A_160, %gather3A_169 : vector<16xf32>
      %add3A_171 = arith.constant 2 : i32
      %add3A_172 = vector.broadcast %add3A_171 : i32 to vector<16xi32>
      %add3A_173 = arith.addi %iota3A, %add3A_172 : vector<16xi32>
      %rem3A_174 = arith.constant 16 : i32
      %rem3A_175 = vector.broadcast %rem3A_174 : i32 to vector<16xi32>
      %rem3A_176 = arith.remsi %add3A_173, %rem3A_175 : vector<16xi32>
      %broadcast_in_dim3A_177 = vector.shape_cast %rem3A_176 : vector<16xi32> to vector<16x1xi32>
      %gather3A_178 = vector.shape_cast %broadcast_in_dim3A_177 : vector<16x1xi32> to vector<16xi32>
      %gather3A_179 = tpu.dynamic_gather %max3A_170[%gather3A_178] in [0] : vector<16xf32>, vector<16xi32> -> vector<16xf32>
      %max3A_180 = arith.maximumf %max3A_170, %gather3A_179 : vector<16xf32>
      %add3A_181 = arith.constant 1 : i32
      %add3A_182 = vector.broadcast %add3A_181 : i32 to vector<16xi32>
      %add3A_183 = arith.addi %iota3A, %add3A_182 : vector<16xi32>
      %rem3A_184 = arith.constant 16 : i32
      %rem3A_185 = vector.broadcast %rem3A_184 : i32 to vector<16xi32>
      %rem3A_186 = arith.remsi %add3A_183, %rem3A_185 : vector<16xi32>
      %broadcast_in_dim3A_187 = vector.shape_cast %rem3A_186 : vector<16xi32> to vector<16x1xi32>
      %gather3A_188 = vector.shape_cast %broadcast_in_dim3A_187 : vector<16x1xi32> to vector<16xi32>
      %gather3A_189 = tpu.dynamic_gather %max3A_180[%gather3A_188] in [0] : vector<16xf32>, vector<16xi32> -> vector<16xf32>
      %max3A_190 = arith.maximumf %max3A_180, %gather3A_189 : vector<16xf32>
      %eq3A_191 = arith.cmpf oeq, %select_n3A_150, %max3A_190 : vector<16xf32>
      %jit3A_192 = arith.constant 16 : i32
      %broadcast_in_dim3A_193 = vector.broadcast %jit3A_192 : i32 to vector<16xi32>
      %select_n3A_194 = arith.select %eq3A_191, %iota3A, %broadcast_in_dim3A_193 : vector<16xi1>, vector<16xi32>
      %add3A_195 = arith.constant 8 : i32
      %add3A_196 = vector.broadcast %add3A_195 : i32 to vector<16xi32>
      %add3A_197 = arith.addi %iota3A, %add3A_196 : vector<16xi32>
      %rem3A_198 = arith.constant 16 : i32
      %rem3A_199 = vector.broadcast %rem3A_198 : i32 to vector<16xi32>
      %rem3A_200 = arith.remsi %add3A_197, %rem3A_199 : vector<16xi32>
      %broadcast_in_dim3A_201 = vector.shape_cast %rem3A_200 : vector<16xi32> to vector<16x1xi32>
      %gather3A_202 = vector.shape_cast %broadcast_in_dim3A_201 : vector<16x1xi32> to vector<16xi32>
      %gather3A_203 = tpu.dynamic_gather %select_n3A_194[%gather3A_202] in [0] : vector<16xi32>, vector<16xi32> -> vector<16xi32>
      %min3A_204 = arith.minsi %select_n3A_194, %gather3A_203 : vector<16xi32>
      %add3A_205 = arith.constant 4 : i32
      %add3A_206 = vector.broadcast %add3A_205 : i32 to vector<16xi32>
      %add3A_207 = arith.addi %iota3A, %add3A_206 : vector<16xi32>
      %rem3A_208 = arith.constant 16 : i32
      %rem3A_209 = vector.broadcast %rem3A_208 : i32 to vector<16xi32>
      %rem3A_210 = arith.remsi %add3A_207, %rem3A_209 : vector<16xi32>
      %broadcast_in_dim3A_211 = vector.shape_cast %rem3A_210 : vector<16xi32> to vector<16x1xi32>
      %gather3A_212 = vector.shape_cast %broadcast_in_dim3A_211 : vector<16x1xi32> to vector<16xi32>
      %gather3A_213 = tpu.dynamic_gather %min3A_204[%gather3A_212] in [0] : vector<16xi32>, vector<16xi32> -> vector<16xi32>
      %min3A_214 = arith.minsi %min3A_204, %gather3A_213 : vector<16xi32>
      %add3A_215 = arith.constant 2 : i32
      %add3A_216 = vector.broadcast %add3A_215 : i32 to vector<16xi32>
      %add3A_217 = arith.addi %iota3A, %add3A_216 : vector<16xi32>
      %rem3A_218 = arith.constant 16 : i32
      %rem3A_219 = vector.broadcast %rem3A_218 : i32 to vector<16xi32>
      %rem3A_220 = arith.remsi %add3A_217, %rem3A_219 : vector<16xi32>
      %broadcast_in_dim3A_221 = vector.shape_cast %rem3A_220 : vector<16xi32> to vector<16x1xi32>
      %gather3A_222 = vector.shape_cast %broadcast_in_dim3A_221 : vector<16x1xi32> to vector<16xi32>
      %gather3A_223 = tpu.dynamic_gather %min3A_214[%gather3A_222] in [0] : vector<16xi32>, vector<16xi32> -> vector<16xi32>
      %min3A_224 = arith.minsi %min3A_214, %gather3A_223 : vector<16xi32>
      %add3A_225 = arith.constant 1 : i32
      %add3A_226 = vector.broadcast %add3A_225 : i32 to vector<16xi32>
      %add3A_227 = arith.addi %iota3A, %add3A_226 : vector<16xi32>
      %rem3A_228 = arith.constant 16 : i32
      %rem3A_229 = vector.broadcast %rem3A_228 : i32 to vector<16xi32>
      %rem3A_230 = arith.remsi %add3A_227, %rem3A_229 : vector<16xi32>
      %broadcast_in_dim3A_231 = vector.shape_cast %rem3A_230 : vector<16xi32> to vector<16x1xi32>
      %gather3A_232 = vector.shape_cast %broadcast_in_dim3A_231 : vector<16x1xi32> to vector<16xi32>
      %gather3A_233 = tpu.dynamic_gather %min3A_224[%gather3A_232] in [0] : vector<16xi32>, vector<16xi32> -> vector<16xi32>
      %min3A_234 = arith.minsi %min3A_224, %gather3A_233 : vector<16xi32>
      %sub3A = arith.subf %max3A_190, %max3A_104 : vector<16xf32>
      %exp3A = math.exp %sub3A : vector<16xf32>
      %add3A_235 = arith.constant 1.000000e+00 : f32
      %add3A_236 = vector.broadcast %add3A_235 : f32 to vector<16xf32>
      %add3A_237 = arith.addf %add3A_236, %exp3A : vector<16xf32>
      %broadcast_in_dim3A_238 = arith.constant 0 : i32
      %broadcast_in_dim3A_239 = vector.broadcast %broadcast_in_dim3A_238 : i32 to vector<16xi32>
      %broadcast_in_dim3A_240 = arith.constant 0.000000e+00 : f32
      %broadcast_in_dim3A_241 = vector.broadcast %broadcast_in_dim3A_240 : f32 to vector<16xf32>
      %eq3A_242 = arith.constant 0 : i32
      %eq3A_243 = vector.broadcast %eq3A_242 : i32 to vector<16xi32>
      %eq3A_244 = arith.cmpi eq, %iota3A, %eq3A_243 : vector<16xi32>
      %eq3A_245 = arith.constant 1 : i32
      %eq3A_246 = vector.broadcast %eq3A_245 : i32 to vector<16xi32>
      %eq3A_247 = arith.cmpi eq, %iota3A, %eq3A_246 : vector<16xi32>
      %select_n3A_248 = arith.select %eq3A_247, %min3A_234, %broadcast_in_dim3A_239 : vector<16xi1>, vector<16xi32>
      %select_n3A_249 = arith.select %eq3A_244, %min3A_146, %select_n3A_248 : vector<16xi1>, vector<16xi32>
      %swap3A = arith.constant 0 : index
      %swap3A_250 = tpu.vector_load %arg10[%swap3A] {strides = array<i32>} : memref<16xi32, #tpu.memory_space<vmem>>, vector<16xi32>,
      tpu.vector_store %arg10[%swap3A], %select_n3A_249 {strides = array<i32>} : memref<16xi32, #tpu.memory_space<vmem>>, vector<16xi32>,
      %eq3A_251 = arith.constant 0 : i32
      %eq3A_252 = vector.broadcast %eq3A_251 : i32 to vector<16xi32>
      %eq3A_253 = arith.cmpi eq, %iota3A, %eq3A_252 : vector<16xi32>
      %div3A = arith.constant 1.000000e+00 : f32
      %div3A_254 = vector.broadcast %div3A : f32 to vector<16xf32>
      %div3A_255 = arith.divf %div3A_254, %add3A_237 : vector<16xf32>
      %eq3A_256 = arith.constant 1 : i32
      %eq3A_257 = vector.broadcast %eq3A_256 : i32 to vector<16xi32>
      %eq3A_258 = arith.cmpi eq, %iota3A, %eq3A_257 : vector<16xi32>
      %div3A_259 = arith.divf %exp3A, %add3A_237 : vector<16xf32>
      %select_n3A_260 = arith.select %eq3A_258, %div3A_259, %broadcast_in_dim3A_241 : vector<16xi1>, vector<16xf32>
      %select_n3A_261 = arith.select %eq3A_253, %div3A_255, %select_n3A_260 : vector<16xi1>, vector<16xf32>
      %swap3A_262 = arith.constant 0 : index
      %swap3A_263 = tpu.vector_load %arg11[%swap3A_262] {strides = array<i32>} : memref<16xf32, #tpu.memory_space<vmem>>, vector<16xf32>,
      tpu.vector_store %arg11[%swap3A_262], %select_n3A_261 {strides = array<i32>} : memref<16xf32, #tpu.memory_space<vmem>>, vector<16xf32>,
      "tpu.region"() ({
        %run_scoped3A = tpu.sem_alloc : memref<!tpu.dma_semaphore, #tpu.memory_space<semaphore_mem>>
        %dma_start3A = arith.constant 0 : i32
        %dma_start3A_264 = tpu.memref_slice %arg4[%arg0, %dma_start3A] : memref<2x16xi32, #tpu.memory_space<hbm>> -> memref<1x16xi32, #tpu.memory_space<hbm>>
        %dma_start3A_265 = tpu.memref_squeeze %dma_start3A_264 : memref<1x16xi32, #tpu.memory_space<hbm>> -> memref<16xi32, #tpu.memory_space<hbm>>
        %dma_start3A_266 = arith.constant 0 : i32
        %dma_start3A_267 = tpu.memref_slice %arg4[%arg0, %dma_start3A_266] : memref<2x16xi32, #tpu.memory_space<hbm>> -> memref<1x16xi32, #tpu.memory_space<hbm>>
        %dma_start3A_268 = tpu.memref_squeeze %dma_start3A_267 : memref<1x16xi32, #tpu.memory_space<hbm>> -> memref<16xi32, #tpu.memory_space<hbm>>
        tpu.enqueue_dma source(%arg10 : memref<16xi32, #tpu.memory_space<vmem>>) target(%dma_start3A_268 : memref<16xi32, #tpu.memory_space<hbm>>) target_semaphore(%run_scoped3A : memref<!tpu.dma_semaphore, #tpu.memory_space<semaphore_mem>>)
        %dma_wait3A = arith.constant 0 : i32
        %dma_wait3A_269 = tpu.memref_slice %arg4[%arg0, %dma_wait3A] : memref<2x16xi32, #tpu.memory_space<hbm>> -> memref<1x16xi32, #tpu.memory_space<hbm>>
        %dma_wait3A_270 = tpu.memref_squeeze %dma_wait3A_269 : memref<1x16xi32, #tpu.memory_space<hbm>> -> memref<16xi32, #tpu.memory_space<hbm>>
        %dma_wait3A_271 = arith.constant 0 : i32
        %dma_wait3A_272 = tpu.memref_slice %arg4[%arg0, %dma_wait3A_271] : memref<2x16xi32, #tpu.memory_space<hbm>> -> memref<1x16xi32, #tpu.memory_space<hbm>>
        %dma_wait3A_273 = tpu.memref_squeeze %dma_wait3A_272 : memref<1x16xi32, #tpu.memory_space<hbm>> -> memref<16xi32, #tpu.memory_space<hbm>>
        tpu.wait_dma2 semaphore(%run_scoped3A : memref<!tpu.dma_semaphore, #tpu.memory_space<semaphore_mem>>) src(%arg10 : memref<16xi32, #tpu.memory_space<vmem>>) dst(%dma_wait3A_273 : memref<16xi32, #tpu.memory_space<hbm>>)
        tpu.yield
      }) : () -> ()
      "tpu.region"() ({
        %run_scoped3A = tpu.sem_alloc : memref<!tpu.dma_semaphore, #tpu.memory_space<semaphore_mem>>
        %dma_start3A = arith.constant 0 : i32
        %dma_start3A_264 = tpu.memref_slice %arg5[%arg0, %dma_start3A] : memref<2x16xf32, #tpu.memory_space<hbm>> -> memref<1x16xf32, #tpu.memory_space<hbm>>
        %dma_start3A_265 = tpu.memref_squeeze %dma_start3A_264 : memref<1x16xf32, #tpu.memory_space<hbm>> -> memref<16xf32, #tpu.memory_space<hbm>>
        %dma_start3A_266 = arith.constant 0 : i32
        %dma_start3A_267 = tpu.memref_slice %arg5[%arg0, %dma_start3A_266] : memref<2x16xf32, #tpu.memory_space<hbm>> -> memref<1x16xf32, #tpu.memory_space<hbm>>
        %dma_start3A_268 = tpu.memref_squeeze %dma_start3A_267 : memref<1x16xf32, #tpu.memory_space<hbm>> -> memref<16xf32, #tpu.memory_space<hbm>>
        tpu.enqueue_dma source(%arg11 : memref<16xf32, #tpu.memory_space<vmem>>) target(%dma_start3A_268 : memref<16xf32, #tpu.memory_space<hbm>>) target_semaphore(%run_scoped3A : memref<!tpu.dma_semaphore, #tpu.memory_space<semaphore_mem>>)
        %dma_wait3A = arith.constant 0 : i32
        %dma_wait3A_269 = tpu.memref_slice %arg5[%arg0, %dma_wait3A] : memref<2x16xf32, #tpu.memory_space<hbm>> -> memref<1x16xf32, #tpu.memory_space<hbm>>
        %dma_wait3A_270 = tpu.memref_squeeze %dma_wait3A_269 : memref<1x16xf32, #tpu.memory_space<hbm>> -> memref<16xf32, #tpu.memory_space<hbm>>
        %dma_wait3A_271 = arith.constant 0 : i32
        %dma_wait3A_272 = tpu.memref_slice %arg5[%arg0, %dma_wait3A_271] : memref<2x16xf32, #tpu.memory_space<hbm>> -> memref<1x16xf32, #tpu.memory_space<hbm>>
        %dma_wait3A_273 = tpu.memref_squeeze %dma_wait3A_272 : memref<1x16xf32, #tpu.memory_space<hbm>> -> memref<16xf32, #tpu.memory_space<hbm>>
        tpu.wait_dma2 semaphore(%run_scoped3A : memref<!tpu.dma_semaphore, #tpu.memory_space<semaphore_mem>>) src(%arg11 : memref<16xf32, #tpu.memory_space<vmem>>) dst(%dma_wait3A_273 : memref<16xf32, #tpu.memory_space<hbm>>)
        tpu.yield
      }) : () -> ()
    } else {
    }
    return
  }
}

</mosaic_0001>

<sc_bundles>
// kernel: _route_sc.3.cloned.1.call-start
scs
__scs_entry_jumppad:
0x0: {  	(pc) =	sbr.rel $0x88, $3  }
0x1: {  	(tag) =	ssettag $0x0;
	lr =	simm.s32 $0x1  }
0x2: {  	[smem:$0x3F9F] =	sst lr;
	_ =	strace $0xD0000000  }
0x3: {  	_ = 	snop  }
0x4: {  	_ = 	snop  }
0x5: {  	_ = 	snop  }
0x6: {  	_ = 	snop  }
0x7: {  	_ = 	snop  }
__scs_overlays_trampoline_lowered:
0x8: {  	[smem:$0x3FAE] =	sst s0  }
0x9: {  	[smem:$0x3FAF] =	sst s1  }
0xa: {  	[smem:$0x3FB0] =	sst s2  }
0xb: {  	[smem:$0x3FB1] =	sst s3  }
0xc: {  	[smem:$0x3FB2] =	sst s4  }
0xd: {  	[smem:$0x3FB3] =	sst s5  }
0xe: {  	[smem:$0x3FB4] =	sst s6  }
0xf: {  	[smem:$0x3FB5] =	sst s7  }
0x10: {  	[smem:$0x3FB6] =	sst s8  }
0x11: {  	[smem:$0x3FB7] =	sst s9;
	s0 =	simm.s32 @!p0 $0x0  }
0x12: {  	s1 =	sld [smem:$0x3F9D];
	s0 =	simm.s32 @p0 $0x1  }
0x13: {  	[smem:$0x3FB8] =	sst s0;
	s0 =	simm.s32 @!p1 $0x0  }
0x14: {  	s2 =	sld [smem:$0x3F9C];
	s0 =	simm.s32 @p1 $0x1  }
0x15: {  	[smem:$0x3FB9] =	sst s0;
	s0 =	simm.s32 @!p2 $0x0  }
0x16: {  	s3 =	sld [smem:$0x3FDB];
	s0 =	simm.s32 @p2 $0x1  }
0x17: {  	s4 =	simm.s32 $0x1BF5;
	[smem:$0x3FBB] =	sst s0  }
0x18: {  	s0 =	sld [smem:$0x3F9E];
	_ =	swait.ge [sflag:s4], $0x0  }
0x19: {  	s7 =	sld [smem:$0x3F9F]  }
0x1a: {  	s8 =	sadd.s32 $0xFFFFE003, lr  }
0x1b: {  	s9 =	sadd.s32 $0xFFFFFEF7, lr;
	s5 =	simm.s32 $0xFFFFFFFF;
	p2 =	slt.u32 s8, $0xFFFFF086  }
0x1c: {  	p1 =	slt.u32 s9, $0xF7A;
	s5 =	simm.s32 @!p2 $0x0  }
0x1d: {  	s5 =	simm.s32 @p1 $0x1;
	p0 =	seq.s32 s7, s2  }
0x1e: {  	s7 =	smul.u32 @!p0 $0xF7A, s2;
	p2 =	seq.s32 @!p0 s5, $0x0  }
0x1f: {  	s9 =	smul.u32 $0xF7A, s1;
	s8 =	simm.s32 @!p0 $0x1BF5;
	p2 =	por !p2, p0  }
0x20: {  	[sflag:s8] =	ssyncset.s32 @!p0 $0xFFFFF086;
	s6 =	sadd.s32 @!p0 s3, s7;
	s7 =	simm.s32 @!p0 $0x108  }
0x21: {  	s3 =	sadd.s32 s3, s9;
	s6 =	sadd.s32 @!p0 $0x88, s6;
	s7 =	simm.s32 @p2 $0x1082  }
0x22: {  	[simem:s7], [sflag:s8] =	dma.local @!p0 [hbm:s6], $0xF7A  }
0x23: {  	s9 =	sor.u32 $0xD0000000, s2;
	s6 =	simm.s32 $0x108;
	_ =	swait.ge @!p0 [sflag:s8], $0x0  }
0x24: {  	s3 =	sadd.s32 $0x88, s3;
	s6 =	simm.s32 @!p1 $0x1082;
	[sflag:s4] =	ssyncset.s32 $0xFFFFF086  }
0x25: {  	[simem:s6], [sflag:s4] =	dma.local [hbm:s3], $0xF7A  }
0x26: {  	[smem:$0x3F9F] =	sst s1;
	(tag) =	ssettag s2;
	_ =	strace s9  }
0x27: {  	s1 =	sld [smem:$0x3FAF]  }
0x28: {  	s2 =	sld [smem:$0x3FB0]  }
0x29: {  	s4 =	sld [smem:$0x3FB2]  }
0x2a: {  	p0 =	seq.s32 s5, $0x0;
	s5 =	sld [smem:$0x3FB3]  }
0x2b: {  	s6 =	sld [smem:$0x3FB4]  }
0x2c: {  	s7 =	sld [smem:$0x3FB5]  }
0x2d: {  	s3 =	simm.s32 $0x108;
	s8 =	sld [smem:$0x3FB6]  }
0x2e: {  	s3 =	simm.s32 @!p0 $0x1082;
	s9 =	sld [smem:$0x3FB7]  }
0x2f: {  	lr =	sadd.s32 s0, s3;
	s0 =	sld [smem:$0x3FAE]  }
0x30: {  	s3 =	sld [smem:$0x3FB1]  }
0x31: {  	[smem:$0x3FBA] =	sst s10  }
0x32: {  	s10 =	sld [smem:$0x3FB8];
	_ =	sdelay $0x3  }
0x33: {  	p0 =	seq.s32 s10, $0x1;
	s10 =	sld [smem:$0x3FBA];
	_ =	sdelay $0x3  }
0x34: {  	[smem:$0x3FBA] =	sst s10  }
0x35: {  	s10 =	sld [smem:$0x3FB9];
	_ =	sdelay $0x3  }
0x36: {  	p1 =	seq.s32 s10, $0x1;
	s10 =	sld [smem:$0x3FBA];
	_ =	sdelay $0x3  }
0x37: {  	[smem:$0x3FBA] =	sst s10  }
0x38: {  	s10 =	sld [smem:$0x3FBB]  }
0x39: {  	_ = 	snop;
	(pc) =	sbr.ind lr, $3  }
0x3a: {  	_ = 	snop  }
0x3b: {  	_ = 	snop  }
0x3c: {  	p2 =	seq.s32 s10, $0x1;
	s10 =	sld [smem:$0x3FBA]  }
0x3d: {  	_ =	shalt  }
0x3e: {  	_ =	shalt  }
0x3f: {  	_ =	shalt  }
0x40: {  	_ =	shalt  }
0x41: {  	_ =	shalt  }
0x42: {  	_ =	shalt  }
0x43: {  	_ =	shalt  }
0x44: {  	_ =	shalt  }
0x45: {  	_ =	shalt  }
0x46: {  	_ =	shalt  }
0x47: {  	_ =	shalt  }
0x48: {  	_ =	shalt  }
0x49: {  	_ =	shalt  }
0x4a: {  	_ =	shalt  }
0x4b: {  	_ =	shalt  }
0x4c: {  	_ =	shalt  }
0x4d: {  	_ =	shalt  }
0x4e: {  	_ =	shalt  }
0x4f: {  	_ =	shalt  }
0x50: {  	_ =	shalt  }
0x51: {  	_ =	shalt  }
0x52: {  	_ =	shalt  }
0x53: {  	_ =	shalt  }
0x54: {  	_ =	shalt  }
0x55: {  	_ =	shalt  }
0x56: {  	_ =	shalt  }
0x57: {  	_ =	shalt  }
0x58: {  	_ =	shalt  }
0x59: {  	_ =	shalt  }
0x5a: {  	_ =	shalt  }
0x5b: {  	_ =	shalt  }
0x5c: {  	_ =	shalt  }
0x5d: {  	_ =	shalt  }
0x5e: {  	_ =	shalt  }
0x5f: {  	_ =	shalt  }
0x60: {  	_ =	shalt  }
0x61: {  	_ =	shalt  }
0x62: {  	_ =	shalt  }
0x63: {  	_ =	shalt  }
0x64: {  	_ =	shalt  }
0x65: {  	_ =	shalt  }
0x66: {  	_ =	shalt  }
0x67: {  	_ =	shalt  }
0x68: {  	_ =	shalt  }
0x69: {  	_ =	shalt  }
0x6a: {  	_ =	shalt  }
0x6b: {  	_ =	shalt  }
0x6c: {  	_ =	shalt  }
0x6d: {  	_ =	shalt  }
0x6e: {  	_ =	shalt  }
0x6f: {  	_ =	shalt  }
0x70: {  	_ =	shalt  }
0x71: {  	_ =	shalt  }
0x72: {  	_ =	shalt  }
0x73: {  	_ =	shalt  }
0x74: {  	_ =	shalt  }
0x75: {  	_ =	shalt  }
0x76: {  	_ =	shalt  }
0x77: {  	_ =	shalt  }
0x78: {  	_ =	shalt  }
0x79: {  	_ =	shalt  }
0x7a: {  	_ =	shalt  }
0x7b: {  	_ =	shalt  }
0x7c: {  	_ =	shalt  }
0x7d: {  	_ =	shalt  }
0x7e: {  	_ =	shalt  }
0x7f: {  	_ =	shalt  }
0x80: {  	_ =	shalt  }
0x81: {  	_ =	shalt  }
0x82: {  	_ =	shalt  }
0x83: {  	_ =	shalt  }
0x84: {  	_ =	shalt  }
0x85: {  	_ =	shalt  }
0x86: {  	_ =	shalt  }
0x87: {  	_ =	shalt  }
.Lfunc_end0:
.L_simem_size_0:
called_computation_lowered:
.L_overlay_start_0:
0x88: {  	s2 =	sld [smem:$0x3FD9]  }
0x89: {  	s3 =	sld [smem:$0x3FFE];
	_ =	sdelay $0x1  }
0x8a: {  	s1 =	srdreg.scid  }
0x8b: {  	s0 =	sand.u32 $0x1, s1  }
0x8c: {  	s15 =	sshll.u32 s0, $0xA;
	s2 =	sadd.s32 s3, s2  }
0x8d: {  	s2 =	sadd.s32 s2, s15  }
0x8e: {  	[smem:$0x3FC6] =	sst s2  }
0x8f: {  	_ = 	snop  }
0x90: {  	s2 =	sld [smem:$0x3FD0];
	_ =	sdelay $0x1  }
0x91: {  	s16 =	sld [smem:$0x3FC9]  }
0x92: {  	s5 =	simm.s32 $0xA;
	s6 =	simm.s32 $0x10;
	s4 =	sld [smem:$0x3FC8]  }
0x93: {  	[smem:s6], [sflag:s5] =	dma.local [hbm:s2], $0x1  }
0x94: {  	_ =	swait.eq [sflag:s5], $0x1  }
0x95: {  	[sflag:s5] =	ssyncset.done $0x0  }
0x96: {  	s17 =	sld [smem:$0x10];
	[sflag:s5] =	ssyncadd.s32 $0xFFFFFFFF  }
0x97: {  	s18 =	sld [smem:$0x11];
	(tm) =	ssettm $0x1  }
0x98: {  	s19 =	sld [smem:$0x3FFB];
	_ =	sdelay $0x3  }
0x99: {  	_ =	strace s19  }
0x9a: {  	s6 =	sld [smem:$0x3FFC];
	_ =	sdelay $0x3  }
0x9b: {  	_ =	strace s6  }
0x9c: {  	s6 =	sld [smem:$0x3FFD];
	_ =	sdelay $0x3  }
0x9d: {  	_ =	strace s6  }
0x9e: {  	_ =	strace $0x8FFFFFFF  }
0x9f: {  	s20 =	sld [smem:$0x3FDB];
	_ =	sdelay $0x1  }
0xa0: {  	s7 =	simm.s32 $_scs_section_size  }
0xa1: {  	s8 =	simm.s32 $_size__tile_overlayer_lowered;
	s9 =	simm.s32 $_tile_overlayer_lowered  }
0xa2: {  	s23 =	simm.s32 $0x1BFF;
	s22 =	sshll.u32 s9, $0x1;
	s6 =	sadd.s32 s7, s20  }
0xa3: {  	s10 =	simm.s32 $0x0;
	s21 =	sshll.u32 s8, $0x1;
	s8 =	sadd.s32 s22, s6  }
0xa4: {  	[timem:s10], [sflag:s23] =	dma.local [hbm:s8], s21  }
0xa5: {  	_ =	swait.ge [sflag:s23], s21  }
0xa6: {  	s7 =	ssub.s32 $0x0, s21;
	[sflag:s23] =	ssyncset.done $0x0  }
0xa7: {  	[sflag:s23] =	ssyncadd.s32 s7;
	_ =	sdelay $0x1  }
0xa8: {  	s24 =	simm.s32 $0x1B8B  }
0xa9: {  	_ =	swait.ge [sflag:s24], $0x1  }
0xaa: {  	[sflag:s24] =	ssyncset.done $0x0  }
0xab: {  	s25 =	simm.s32 $0x1B8E;
	[sflag:s24] =	ssyncadd.s32 $0xFFFFFFFF  }
0xac: {  	s26 =	simm.s32 $execute0_lowered;
	[smem:$0x3FD2] =	sst s25  }
0xad: {  	s7 =	sshll.u32 s26, $0x1;
	_ =	strace $0x80000046;
	[dreg:$0x1] =	wrdreg $0xFFFFFFFF  }
0xae: {  	s28 =	simm.s32 $_size_execute0_lowered;
	s6 =	sadd.s32 s6, s7;
	[dreg:$0x0] =	wrdreg $0x0  }
0xaf: {  	s7 =	sshll.u32 s28, $0x1;
	[dreg:$0x2] =	wrdreg s6  }
0xb0: {  	[dreg:$0x3] =	wrdreg s7  }
0xb1: {  	[dreg:$0x4] =	wrdreg $0xC0  }
0xb2: {  	_ =	task [dreg:s10], $0x5FFFF  }
0xb3: {  	[dreg:$0x1] =	wrdreg $0xFFFFFFFF  }
0xb4: {  	[dreg:$0x0] =	wrdreg $0x60  }
0xb5: {  	[dreg:$0x2] =	wrdreg s16  }
0xb6: {  	[dreg:$0x3] =	wrdreg s4  }
0xb7: {  	[dreg:$0x4] =	wrdreg s17  }
0xb8: {  	[dreg:$0x5] =	wrdreg s18  }
0xb9: {  	[dreg:$0x6] =	wrdreg $0x15800  }
0xba: {  	[dreg:$0x7] =	wrdreg $0x9  }
0xbb: {  	_ =	task.clear_ibuf [dreg:s10], $0x8FFFF;
	_ =	strace $0x90000046  }
0xbc: {  	s29 =	simm.s32 $0x9;
	_ =	strace $0x80000048  }
0xbd: {  	_ =	swait.ge [sflag:s29], $0x1  }
0xbe: {  	[sflag:s29] =	ssyncadd.s32 $0xFFFFFFFF  }
0xbf: {  	_ =	strace $0x90000048  }
0xc0: {  	_ =	sfence  }
0xc1: {  	s30 =	sld [smem:$0x0];
	_ =	sdelay $0x2  }
0xc2: {  	s31 =	sshll.u32 s1, $0xD;
	s1 =	sshrl.u32 s1, $0x2  }
0xc3: {  	s3 =	sand.u32 $0x4000, s31;
	s1 =	sadd.s32 s1, s30  }
0xc4: {  	s0 =	sor.u32 s3, s0;
	s1 =	sshll.u32 s1, $0x11  }
0xc5: {  	s0 =	sor.u32 s1, s0  }
0xc6: {  	s0 =	sadd.s32 $0x8F2B, s0  }
0xc7: {  	[sflag:s0] =	ssyncadd.remote.s32 $0x1  }
0xc8: {  	_ =	sfence.sel $0xFFFF  }
0xc9: {  	[dreg:$0x0] =	wrdreg $0xFFFFFFFF;
	(pc) =	sbr.abs _section_cstart, $3  }
0xca: {  	[dreg:$0x1] =	wrdreg $0xFFFFFFFF  }
0xcb: {  	_ =	task.clear_ibuf [dreg:s10], $0x2FFFF;
	_ =	strace $0x9FFFFFFF  }
0xcc: {  	(tm) =	ssettm $0x7FFFFFFF  }
0xcd: {  	_ =	shalt  }
tec
execute0_lowered:
.L_overlay_start_1:
0x0: {  	(tag) =	ssettag $0x1  }
0x1: {  	s2 =	rddreg [dreg:$0x0]  }
0x2: {  	s3 =	rddreg [dreg:$0x1]  }
0x3: {  	v0 =	vimm.s32 $0xFEDCBA98;
	v1 =	vimm.s32 $0x76543210;
	s6 =	rddreg [dreg:$0x2];
	v2 =	vimm.s32 $0x3210FEDC  }
0x4: {  	s7 =	rddreg [dreg:$0x3];
	v3 =	vimm.s32 $0xBA987654;
	v4 =	vimm.s32 $0x10FEDCBA;
	v5 =	vimm.s32 $0x98765432  }
0x5: {  	s4 =	rddreg [dreg:$0x4];
	s0 =	simm.s32 $0x0;
	v6 =	vimm.s32 $0xFEDCBA9;
	v7 =	vimm.s32 $0x87654321;
	vm0 =	vmmov $0x1  }
0x6: {  	s1 =	srdreg.scid;
	s13 =	stileid.u32;
	vm1 =	vcmask $0x320;
	vm2 =	vcmask $0x720;
	vm3 =	vcmask $0xB20;
	s11 =	simm.s32 $0x1  }
0x7: {  	s12 =	simm.s32 $0x800;
	vm4 =	vcmask $0xF20;
	s14 =	simm.s32 $0x1080;
	s15 =	simm.s32 $0x1480;
	v0 =	vunpack.c.l.s4.s8 v0;
	v1 =	vunpack.c.l.s4.s8 v1  }
0x8: {  	s16 =	simm.s32 $0x1500;
	s17 =	simm.s32 $0x0;
	[smem:$0x7FF] =	sst s0;
	v2 =	vunpack.c.l.s4.s8 v2;
	v3 =	vunpack.c.l.s4.s8 v3;
	v4 =	vunpack.c.l.s4.s8 v4  }
0x9: {  	s5 =	sand.u32 $0x1, s1;
	s1 =	rddreg [dreg:$0x5];
	v5 =	vunpack.c.l.s4.s8 v5;
	v6 =	vunpack.c.l.s4.s8 v6;
	v7 =	vunpack.c.l.s4.s8 v7;
	s10 =	sshll.u32 s13, $0x4  }
0xa: {  	s30 =	sshll.u32 s13, $0x7;
	p0 =	slt.u32 s13, $0x8;
	p1 =	sne.s32 s13, $0x0;
	v0 =	vunpack.c.0.s8.s32 v0;
	v1 =	vunpack.c.0.s8.s32 v1;
	v2 =	vunpack.c.0.s8.s32 v2  }
0xb: {  	s13 =	simm.s32 $0x1000;
	s8 =	ssub.s32 $0x2, s5;
	_ =	strace $0x80000047;
	v3 =	vunpack.c.0.s8.s32 v3;
	v4 =	vunpack.c.0.s8.s32 v4;
	v5 =	vunpack.c.0.s8.s32 v5  }
.Ltmp0:
0xc: {  	s28 =	sshll.u32 s5, $0x13;
	s3 =	sadd.s32 s3, s10;
	v6 =	vunpack.c.0.s8.s32 v6;
	v7 =	vunpack.c.0.s8.s32 v7;
	v0 =	vand.u32 $0xF, v0;
	(pc) =	sbr.rel .LBB2_1-.Ltmp0, $4  }
0xd: {  	vm5 =	vcmask $0x1320;
	s29 =	sshll.u32 s5, $0xA;
	s31 =	sshll.u32 s5, $0x4;
	s10 =	simm.s32 $0x400;
	v0 =	vcombine.low v0, v1;
	v1 =	vcombine.low v3, v2  }
0xe: {  	vm6 =	vcmask $0x1720;
	s9 =	sshrl.u32 s8, $0x1;
	s2 =	sadd.s32 s2, s28;
	s4 =	sadd.s32 s29, s4;
	v2 =	vcombine.low v5, v4;
	v3 =	vcombine.low v7, v6  }
0xf: {  	vm7 =	vcmask $0x1B20;
	vm8 =	vcmask $0x3F08;
	s6 =	sadd.s32 s6, s31;
	s7 =	sadd.s32 s7, s31;
	s8 =	ssub.s32 s8, s9;
	v7 =	vlaneseq.u32  }
0x10: {  	s5 =	sadd.s32 s30, s4;
	s9 =	simm.s32 $0x80;
	s8 =	smax.u32 s8, $0x1;
	v4 =	vand.u32 $0xF, v1;
	v5 =	vand.u32 $0xF, v2;
	v6 =	vand.u32 $0xF, v3  }
.LBB2_2:
0x11: {  	[bflag:$0x0] =	sbarrier.arrive $0xFFFF  }
.LBB2_7:
0x12: {  	s17 =	sadd.s32 $0x1, s17  }
0x13: {  	p2 =	sne.s32 s17, s8  }
.Ltmp1:
0x14: {  	_ = 	snop;
	(pc) =	sbr.rel @!p2 .LBB2_8-.Ltmp1, $1  }
0x15: {  	_ =	sdelay $0x3  }
.LBB2_1:
.Ltmp2:
0x16: {  	(pc) =	sbr.rel @!p0 .LBB2_2-.Ltmp2, $1  }
0x17: {  	_ =	sdelay $0x3  }
0x18: {  	s18 =	simm.s32 $0x0  }
0x19: {  	[tilespmem:s18], [sflag:$0x1] =	stream.strided.gather [hbm4b:s2+s9], $0x800, s10, s9, $0x38;
	[tilespmem:$0x1590] =	vst v63  }
0x1a: {  	_ =	swait.ge [sflag:s11], $0x800  }
0x1b: {  	[sflag:s11] =	ssyncset.done $0x0  }
0x1c: {  	[sflag:s11] =	ssyncadd.s32 $0xFFFFF800  }
0x1d: {  	[tilespmem:s12], [sflag:$0x1] =	stream.strided.gather [hbm4b:s3+s9], $0x800, s10, s9, $0x38;
	[tilespmem:$0x1590] =	vst v63  }
0x1e: {  	_ =	swait.ge [sflag:s11], $0x800  }
0x1f: {  	[sflag:s11] =	ssyncset.done $0x0  }
0x20: {  	s31 =	simm.s32 $0x0;
	[sflag:s11] =	ssyncadd.s32 $0xFFFFF800  }
0x21: {  	v9 =	vld [tilespmem:s31+$0x840]  }
0x22: {  	v10 =	vld [tilespmem:s31+$0x60]  }
0x23: {  	v12 =	vld [tilespmem:s31+$0x40]  }
0x24: {  	v15 =	vld [tilespmem:s31+$0x50]  }
0x25: {  	v19 =	vld [tilespmem:s31+$0x850]  }
0x26: {  	v14 =	vld [tilespmem:s31+$0x810]  }
0x27: {  	v25 =	vld [tilespmem:s31+$0x870]  }
0x28: {  	v28 =	vld [tilespmem:s31+$0x820];
	_ =	sdelay $0x1  }
0x29: {  	v8 =	vimm.f32 $0.0e+00;
	v13 =	vld [tilespmem:s31+$0x860];
	v11 =	vshrl.u32 v9, $0x10  }
0x2a: {  	v23 =	vld [tilespmem:s31+$0x10];
	v16 =	vshrl.u32 v10, $0x10;
	v17 =	vshrl.u32 v12, $0x10;
	v21 =	vshrl.u32 v19, $0x10  }
0x2b: {  	v20 =	vld [tilespmem:s31+$0x0];
	v24 =	vshrl.u32 v14, $0x10;
	v27 =	vshrl.u32 v25, $0x10;
	v29 =	vshrl.u32 v15, $0x10  }
0x2c: {  	v62 =	vshrl.u32 v28, $0x10;
	v11 =	vand.u32 $0x1, v11;
	v16 =	vand.u32 $0x1, v16  }
0x2d: {  	v22 =	vld [tilespmem:s31+$0x20];
	v17 =	vand.u32 $0x1, v17;
	v24 =	vand.u32 $0x1, v24;
	v31 =	vand.u32 $0x1, v21  }
0x2e: {  	v9 =	vadd.s32 v11, v9;
	v11 =	vadd.s32 v16, v10;
	v16 =	vshrl.u32 v13, $0x10  }
0x2f: {  	v21 =	vshrl.u32 v23, $0x10;
	v10 =	vld [tilespmem:s31+$0x30];
	v18 =	vadd.s32 $0x7FFF, v11;
	v16 =	vand.u32 $0x1, v16  }
0x30: {  	v26 =	vld [tilespmem:s31+$0x70];
	v13 =	vadd.s32 v16, v13;
	v16 =	vand.u32 $0xFFFF0000, v18;
	v18 =	vshrl.u32 v20, $0x10  }
0x31: {  	v12 =	vadd.s32 v17, v12;
	v11 =	vld [tilespmem:s31+$0x830];
	v13 =	vadd.s32 $0x7FFF, v13;
	v30 =	vand.u32 $0x1, v18  }
0x32: {  	v18 =	vadd.s32 v24, v14;
	v14 =	vadd.s32 $0x7FFF, v12;
	v24 =	vshrl.u32 v22, $0x10  }
0x33: {  	v32 =	vld [tilespmem:s31+$0x800];
	v13 =	vand.u32 $0xFFFF0000, v13;
	v12 =	vadd.s32 $0x7FFF, v18;
	v63 =	vadd.s32 v30, v20  }
0x34: {  	v17 =	vshrl.u32 v10, $0x10;
	v18 =	vand.u32 $0xFFFF0000, v12;
	v16 =	vmul.f32 v13, v16  }
0x35: {  	v12 =	vand.u32 $0x1, v21;
	v13 =	vand.u32 $0x1, v29;
	v21 =	vshrl.u32 v26, $0x10  }
0x36: {  	v33 =	vshrl.u32 v11, $0x10;
	v21 =	vand.u32 $0x1, v21;
	v12 =	vadd.s32 v12, v23  }
0x37: {  	v13 =	vadd.s32 v13, v15;
	v15 =	vand.u32 $0x1, v24;
	v23 =	vand.u32 $0x1, v62  }
0x38: {  	v13 =	vadd.s32 $0x7FFF, v13;
	v24 =	vadd.s32 v21, v26;
	v21 =	vshrl.u32 v32, $0x10  }
0x39: {  	v23 =	vadd.s32 v23, v28;
	v15 =	vadd.s32 v15, v22;
	v22 =	vadd.s32 v31, v19  }
0x3a: {  	v12 =	vadd.s32 $0x7FFF, v12;
	v13 =	vand.u32 $0xFFFF0000, v13;
	v26 =	vand.u32 $0x1, v21  }
0x3b: {  	v23 =	vadd.s32 $0x7FFF, v23;
	v21 =	vand.u32 $0x1, v33;
	v15 =	vadd.s32 $0x7FFF, v15  }
0x3c: {  	v20 =	vadd.s32 v26, v32;
	v23 =	vand.u32 $0xFFFF0000, v23;
	v15 =	vand.u32 $0xFFFF0000, v15  }
0x3d: {  	v26 =	vand.u32 $0x1, v27;
	v20 =	vadd.s32 $0x7FFF, v20;
	v15 =	vmul.f32 v23, v15  }
0x3e: {  	v25 =	vadd.s32 v26, v25;
	v19 =	vand.u32 $0xFFFF0000, v20;
	v20 =	vadd.s32 $0x7FFF, v22  }
0x3f: {  	v22 =	vadd.s32 $0x7FFF, v24;
	v24 =	vand.u32 $0xFFFF0000, v12;
	v12 =	vimm.f32 $0.0e+00  }
0x40: {  	v20 =	vand.u32 $0xFFFF0000, v20;
	v23 =	vand.u32 $0xFFFF0000, v22;
	v22 =	vadd.s32 $0x7FFF, v63  }
0x41: {  	s18 =	simm.s32 $0x200;
	v15 =	vadd.f32 v15, v8;
	v20 =	vmul.f32 v20, v13;
	v13 =	vimm.f32 $0.0e+00  }
.LBB2_4:
0x42: {  	s19 =	sshra.s32 s18, $0x2;
	p2 =	sne.s32 s18, $0x1E00;
	s18 =	sadd.s32 $0x200, s18;
	v17 =	vand.u32 $0x1, v17;
	v11 =	vadd.s32 v21, v11;
	v21 =	vadd.s32 $0x7FFF, v25  }
0x43: {  	v18 =	vmul.f32 v18, v24;
	v25 =	vld [tilespmem:s19+$0x840];
	v11 =	vadd.s32 $0x7FFF, v11;
	v15 =	vadd.f32 v16, v15  }
0x44: {  	v14 =	vand.u32 $0xFFFF0000, v14;
	v10 =	vadd.s32 v17, v10;
	v17 =	vand.u32 $0xFFFF0000, v21;
	v16 =	vld [tilespmem:s19+$0x60]  }
0x45: {  	v8 =	vadd.f32 v18, v8;
	v10 =	vadd.s32 $0x7FFF, v10;
	v17 =	vmul.f32 v17, v23;
	v21 =	vld [tilespmem:s19+$0x40]  }
0x46: {  	v9 =	vadd.s32 $0x7FFF, v9;
	v11 =	vand.u32 $0xFFFF0000, v11;
	v10 =	vand.u32 $0xFFFF0000, v10;
	v18 =	vld [tilespmem:s19+$0x860]  }
0x47: {  	v9 =	vand.u32 $0xFFFF0000, v9;
	v10 =	vmul.f32 v11, v10;
	v8 =	vadd.f32 v20, v8;
	v23 =	vld [tilespmem:s19+$0x50]  }
0x48: {  	v22 =	vand.u32 $0xFFFF0000, v22;
	v14 =	vmul.f32 v9, v14;
	v11 =	vshrl.u32 v25, $0x10;
	v20 =	vld [tilespmem:s19+$0x850]  }
0x49: {  	v13 =	vadd.f32 v10, v13;
	v24 =	vld [tilespmem:s19+$0x810];
	v9 =	vand.u32 $0x1, v11;
	v11 =	vshrl.u32 v16, $0x10  }
0x4a: {  	v26 =	vld [tilespmem:s19+$0x0];
	v9 =	vadd.s32 v9, v25;
	v10 =	vand.u32 $0x1, v11;
	v11 =	vmul.f32 v19, v22  }
0x4b: {  	v19 =	vshrl.u32 v21, $0x10;
	v16 =	vadd.s32 v10, v16;
	v22 =	vshrl.u32 v18, $0x10;
	v25 =	vld [tilespmem:s19+$0x870]  }
0x4c: {  	v10 =	vld [tilespmem:s19+$0x30];
	v16 =	vadd.s32 $0x7FFF, v16;
	v22 =	vand.u32 $0x1, v22;
	v12 =	vadd.f32 v11, v12  }
0x4d: {  	v19 =	vand.u32 $0x1, v19;
	v11 =	vld [tilespmem:s19+$0x830];
	v27 =	vshrl.u32 v20, $0x10;
	v18 =	vadd.s32 v22, v18  }
0x4e: {  	v16 =	vand.u32 $0xFFFF0000, v16;
	v22 =	vld [tilespmem:s19+$0x20];
	v18 =	vadd.s32 $0x7FFF, v18;
	v12 =	vadd.f32 v14, v12  }
0x4f: {  	v13 =	vadd.f32 v17, v13;
	v14 =	vshrl.u32 v26, $0x10;
	v28 =	vld [tilespmem:s19+$0x10];
	v29 =	vand.u32 $0xFFFF0000, v18  }
0x50: {  	v17 =	vshrl.u32 v24, $0x10;
	v18 =	vadd.s32 v19, v21;
	v19 =	vld [tilespmem:s19+$0x70];
	v30 =	vshrl.u32 v25, $0x10  }
0x51: {  	v32 =	vshrl.u32 v23, $0x10;
	v21 =	vand.u32 $0x1, v17;
	v31 =	vld [tilespmem:s19+$0x820];
	v17 =	vshrl.u32 v10, $0x10  }
0x52: {  	v33 =	vand.u32 $0x1, v14;
	v21 =	vadd.s32 v21, v24;
	v14 =	vadd.s32 $0x7FFF, v18  }
0x53: {  	v24 =	vand.u32 $0x1, v27;
	v18 =	vadd.s32 $0x7FFF, v21;
	v21 =	vshrl.u32 v22, $0x10  }
0x54: {  	v16 =	vmul.f32 v29, v16;
	v18 =	vand.u32 $0xFFFF0000, v18;
	v27 =	vld [tilespmem:s19+$0x800];
	v34 =	vshrl.u32 v28, $0x10  }
0x55: {  	v32 =	vand.u32 $0x1, v32;
	v29 =	vand.u32 $0x1, v34;
	v34 =	vshrl.u32 v19, $0x10  }
0x56: {  	v36 =	vshrl.u32 v11, $0x10;
	v35 =	vshrl.u32 v31, $0x10;
	v34 =	vand.u32 $0x1, v34  }
0x57: {  	v28 =	vadd.s32 v29, v28;
	v29 =	vand.u32 $0x1, v21;
	v21 =	vadd.s32 v32, v23  }
0x58: {  	v23 =	vand.u32 $0x1, v35;
	v21 =	vadd.s32 $0x7FFF, v21;
	v32 =	vadd.s32 v34, v19  }
0x59: {  	v23 =	vadd.s32 v23, v31;
	v31 =	vand.u32 $0xFFFF0000, v21;
	v19 =	vshrl.u32 v27, $0x10  }
0x5a: {  	v21 =	vand.u32 $0x1, v36;
	v23 =	vadd.s32 $0x7FFF, v23;
	v19 =	vand.u32 $0x1, v19  }
0x5b: {  	v26 =	vadd.s32 v33, v26;
	v23 =	vand.u32 $0xFFFF0000, v23;
	v19 =	vadd.s32 v19, v27  }
0x5c: {  	v20 =	vadd.s32 v24, v20;
	v22 =	vadd.s32 v29, v22;
	v19 =	vadd.s32 $0x7FFF, v19  }
.Ltmp3:
0x5d: {  	v22 =	vadd.s32 $0x7FFF, v22;
	v27 =	vand.u32 $0x1, v30;
	v19 =	vand.u32 $0xFFFF0000, v19;
	(pc) =	sbr.rel @p2 .LBB2_4-.Ltmp3, $4  }
0x5e: {  	v20 =	vadd.s32 $0x7FFF, v20;
	v24 =	vadd.s32 $0x7FFF, v28;
	v22 =	vand.u32 $0xFFFF0000, v22  }
0x5f: {  	v20 =	vand.u32 $0xFFFF0000, v20;
	v28 =	vmul.f32 v23, v22;
	v22 =	vadd.s32 $0x7FFF, v32  }
0x60: {  	v24 =	vand.u32 $0xFFFF0000, v24;
	v20 =	vmul.f32 v20, v31;
	v23 =	vand.u32 $0xFFFF0000, v22  }
0x61: {  	v22 =	vadd.s32 $0x7FFF, v26;
	v25 =	vadd.s32 v27, v25;
	v15 =	vadd.f32 v28, v15  }
0x62: {  	v17 =	vand.u32 $0x1, v17;
	v11 =	vadd.s32 v21, v11;
	v58 =	vadd.s32 $0x7FFF, v25  }
0x63: {  	v18 =	vmul.f32 v18, v24;
	v14 =	vand.u32 $0xFFFF0000, v14;
	v10 =	vadd.s32 v17, v10  }
0x64: {  	v60 =	vand.u32 $0xFFFF0000, v22;
	v11 =	vadd.s32 $0x7FFF, v11;
	v10 =	vadd.s32 $0x7FFF, v10  }
0x65: {  	v9 =	vadd.s32 $0x7FFF, v9;
	v11 =	vand.u32 $0xFFFF0000, v11;
	v10 =	vand.u32 $0xFFFF0000, v10  }
0x66: {  	v59 =	vand.u32 $0xFFFF0000, v58;
	v61 =	vmul.f32 v19, v60;
	v10 =	vmul.f32 v11, v10  }
0x67: {  	v9 =	vand.u32 $0xFFFF0000, v9;
	v8 =	vadd.f32 v18, v8;
	v17 =	vmul.f32 v59, v23  }
0x68: {  	v9 =	vmul.f32 v9, v14;
	v11 =	vadd.f32 v61, v12;
	v10 =	vadd.f32 v10, v13  }
0x69: {  	v62 =	vadd.f32 v16, v15;
	v8 =	vadd.f32 v20, v8  }
0x6a: {  	v9 =	vadd.f32 v9, v11;
	v10 =	vadd.f32 v17, v10;
	_ =	sdelay $0x1  }
0x6b: {  	v8 =	vadd.f32 v8, v9;
	v63 =	vadd.f32 v10, v62;
	_ =	sdelay $0x1  }
0x6c: {  	v8 =	vadd.f32 v63, v8;
	_ =	sdelay $0x1  }
0x6d: {  	v9 =	vperm.xlane v8, v0;
	_ =	sdelay $0x1  }
0x6e: {  	v8 =	vadd.f32 v9, v8;
	_ =	sdelay $0x1  }
0x6f: {  	v9 =	vperm.xlane v8, v1;
	_ =	sdelay $0x1  }
0x70: {  	v8 =	vadd.f32 v9, v8;
	_ =	sdelay $0x1  }
0x71: {  	v9 =	vperm.xlane v8, v2;
	_ =	sdelay $0x1  }
0x72: {  	v8 =	vadd.f32 v9, v8;
	_ =	sdelay $0x1  }
0x73: {  	v9 =	vperm.xlane v8, v3;
	_ =	sdelay $0x1  }
0x74: {  	v8 =	vadd.f32 v9, v8;
	_ =	sdelay $0x1  }
0x75: {  	[tilespmem:$0x1000] =	vst v8  }
0x76: {  	[spmem:s5] =	stream.linear.scatter [tilespmem:s13], [sflag:$0x1], $0x80, $0x38;
	[tilespmem:$0x1590] =	vst v63  }
.Ltmp4:
0x77: {  	_ =	swait.ge [sflag:s11], $0x80;
	(pc) =	sbr.rel @p1 .LBB2_7-.Ltmp4, $3  }
0x78: {  	[sflag:s11] =	ssyncset.done $0x0  }
0x79: {  	[sflag:s11] =	ssyncadd.s32 $0xFFFFFF80  }
0x7a: {  	[bflag:$0x0] =	sbarrier.arrive $0xFFFF;
	_ =	sdelay $0x1  }
0x7b: {  	[tilespmem:s14], [sflag:$0x1] =	stream.linear.gather [spmem:s4], $0x400, $0x38;
	[tilespmem:$0x1590] =	vst v63  }
0x7c: {  	_ =	swait.ge [sflag:s11], $0x400  }
0x7d: {  	[sflag:s11] =	ssyncset.done $0x0  }
0x7e: {  	[sflag:s11] =	ssyncadd.s32 $0xFFFFFC00  }
0x7f: {  	v8 =	vld [tilespmem:$0x1080]  }
0x80: {  	v9 =	vld [tilespmem:$0x1100]  }
0x81: {  	v10 =	vld [tilespmem:$0x1180]  }
0x82: {  	v11 =	vld [tilespmem:$0x1200]  }
0x83: {  	v12 =	vld [tilespmem:$0x1280]  }
0x84: {  	v13 =	vld [tilespmem:$0x1300];
	v8 =	vnsel vm0, $0xFF800000, v8  }
0x85: {  	v49 =	vld [tilespmem:$0x1380];
	v8 =	vsel vm1, v8, v9  }
0x86: {  	v50 =	vld [tilespmem:$0x1400];
	v8 =	vsel vm2, v8, v10  }
0x87: {  	v8 =	vsel vm3, v8, v11  }
0x88: {  	v8 =	vsel vm4, v8, v12  }
0x89: {  	v8 =	vsel vm5, v8, v13  }
0x8a: {  	v8 =	vsel vm6, v8, v49  }
0x8b: {  	v8 =	vsel vm7, v8, v50  }
0x8c: {  	v51 =	vperm.xlane v8, v0;
	_ =	sdelay $0x1  }
0x8d: {  	v9 =	vmax.f32 v8, v51  }
0x8e: {  	v52 =	vperm.xlane v9, v4;
	_ =	sdelay $0x1  }
0x8f: {  	v9 =	vmax.f32 v9, v52  }
0x90: {  	v10 =	vperm.xlane v9, v5;
	_ =	sdelay $0x1  }
0x91: {  	v9 =	vmax.f32 v9, v10  }
0x92: {  	v10 =	vperm.xlane v9, v6;
	_ =	sdelay $0x1  }
0x93: {  	v9 =	vmax.f32 v9, v10  }
0x94: {  	vm9 =	veq.f32 v8, v9  }
0x95: {  	v53 =	vnsel vm9, $0x10, v7  }
0x96: {  	v54 =	vperm.xlane v53, v0;
	_ =	sdelay $0x1  }
0x97: {  	vm9 =	vlt.s32 v53, v54  }
0x98: {  	v10 =	vsel vm9, v53, v54  }
0x99: {  	v11 =	vperm.xlane v10, v4;
	_ =	sdelay $0x1  }
0x9a: {  	vm9 =	vlt.s32 v10, v11  }
0x9b: {  	v10 =	vsel vm9, v10, v11  }
0x9c: {  	v11 =	vperm.xlane v10, v5;
	_ =	sdelay $0x1  }
0x9d: {  	vm9 =	vlt.s32 v10, v11  }
0x9e: {  	v10 =	vsel vm9, v10, v11  }
0x9f: {  	v11 =	vperm.xlane v10, v6;
	_ =	sdelay $0x1  }
0xa0: {  	vm9 =	vlt.s32 v10, v11  }
0xa1: {  	v10 =	vsel vm9, v10, v11  }
0xa2: {  	vm9 =	veq.s32 v10, v7  }
0xa3: {  	v8 =	vsel vm9, $0xFF800000, v8  }
0xa4: {  	v55 =	vperm.xlane v8, v0;
	_ =	sdelay $0x1  }
0xa5: {  	v11 =	vmax.f32 v8, v55  }
0xa6: {  	v56 =	vperm.xlane v11, v4;
	_ =	sdelay $0x1  }
0xa7: {  	v11 =	vmax.f32 v11, v56  }
0xa8: {  	v12 =	vperm.xlane v11, v5;
	_ =	sdelay $0x1  }
0xa9: {  	v11 =	vmax.f32 v11, v12  }
0xaa: {  	v12 =	vperm.xlane v11, v6;
	_ =	sdelay $0x1  }
0xab: {  	v11 =	vmax.f32 v11, v12  }
0xac: {  	v9 =	vsub.f32 v11, v9;
	_ =	sdelay $0x1  }
0xad: {  	v9 =	vmul.f32 $1.442695020e+00, v9;
	_ =	sdelay $0x1  }
0xae: {  	(erf) = vpow2.f32 v9;
	_ =	sdelay $0x4  }
0xaf: {  	vm9 =	veq.f32 v8, v11  }
0xb0: {  	v8 =	vnsel vm9, $0x10, v7  }
0xb1: {  	v57 =	vperm.xlane v8, v0;
	_ =	sdelay $0x1  }
0xb2: {  	vm9 =	vlt.s32 v8, v57;
	v58 =	vpop (erf)  }
0xb3: {  	v8 =	vsel vm9, v8, v57;
	v59 =	vadd.f32 $1.000000000e+00, v58  }
0xb4: {  	v60 =	vperm.xlane v8, v4  }
0xb5: {  	(erf) = vrcp.f32 v59  }
0xb6: {  	vm9 =	vlt.s32 v8, v60  }
0xb7: {  	v8 =	vsel vm9, v8, v60  }
0xb8: {  	v61 =	vperm.xlane v8, v5;
	_ =	sdelay $0x1  }
0xb9: {  	vm9 =	vlt.s32 v8, v61  }
0xba: {  	v8 =	vsel vm9, v8, v61  }
0xbb: {  	v9 =	vperm.xlane v8, v6;
	_ =	sdelay $0x1  }
0xbc: {  	vm9 =	vlt.s32 v8, v9;
	v62 =	vpop (erf)  }
0xbd: {  	v8 =	vsel vm9, v8, v9;
	v63 =	vmul.f32 v62, v58  }
0xbe: {  	v8 =	vsel vm8, $0x0, v8  }
0xbf: {  	v8 =	vsel vm0, v10, v8;
	v9 =	vsel vm8, $0x0, v63  }
0xc0: {  	[tilespmem:$0x1480] =	vst v8;
	v8 =	vsel vm0, v62, v9  }
0xc1: {  	[tilespmem:$0x1500] =	vst v8  }
0xc2: {  	[hbm4b:s6+s0] =	stream.linear.scatter [tilespmem:s15], [sflag:$0x1], $0x80, $0x38;
	[tilespmem:$0x1590] =	vst v63  }
0xc3: {  	_ =	swait.ge [sflag:s11], $0x80  }
0xc4: {  	[sflag:s11] =	ssyncset.done $0x0  }
.Ltmp5:
0xc5: {  	[sflag:s11] =	ssyncadd.s32 $0xFFFFFF80;
	(pc) =	sbr.rel .LBB2_7-.Ltmp5, $4  }
0xc6: {  	[hbm4b:s7+s0] =	stream.linear.scatter [tilespmem:s16], [sflag:$0x1], $0x80, $0x38;
	[tilespmem:$0x1590] =	vst v63  }
0xc7: {  	_ =	swait.ge [sflag:s11], $0x80  }
0xc8: {  	[sflag:s11] =	ssyncset.done $0x0  }
0xc9: {  	[sflag:s11] =	ssyncadd.s32 $0xFFFFFF80  }
.LBB2_8:
0xca: {  	_ =	sfence.sel $0x180000  }
0xcb: {  	[bflag:$0x0] =	sbarrier.arrive $0xFFFF  }
0xcc: {  	_ =	strace $0x90000047  }
0xcd: {  	s0 =	sadd.s32 @!p1 $0x100000, s1;
	[bflag:$0x2] =	sbarrier.arrive $0xFFFF  }
0xce: {  	[sflag:s0] =	ssyncadd.tile.s32 @!p1 $0x1;
	_ =	shalt  }
.Lfunc_end2:
_tile_overlayer_lowered:
.L_overlay_start_2:
0xcf: {  	(tag) =	ssettag $0x2  }
0xd0: {  	s0 =	rddreg [dreg:$0x0];
	s2 =	stileid.u32  }
0xd1: {  	s1 =	rddreg [dreg:$0x1];
	p0 =	sne.s32 s2, $0x0  }
0xd2: {  	s3 =	rddreg [dreg:$0x2];
	[bflag:$0x3] =	sbarrier.arrive $0xFFFF;
	s2 =	simm.s32 @!p0 $0x1C01  }
0xd3: {  	[timem:s3], [sflag:s2] =	dma.local @!p0 [hbm:s0], s1  }
0xd4: {  	s0 =	simm.s32 @!p0 $0x1  }
0xd5: {  	_ =	swait.ge @!p0 [sflag:s0], s1  }
0xd6: {  	s1 =	ssub.s32 @!p0 $0x0, s1;
	[sflag:s0] =	ssyncset.done @!p0 $0x0  }
0xd7: {  	[sflag:s0] =	ssyncadd.s32 @!p0 s1  }
0xd8: {  	[bflag:$0x3] =	sbarrier.arrive $0xFFFF  }
0xd9: {  	_ =	shalt  }

</sc_bundles>
